<compile_context>
chip_gen: v7x
topology: tpu7x:2x2x1
jax: 0.10.2.dev20260603
libtpu: 0.0.44.dev20260713+nightly
codegen_flags: <defaults>
</compile_context>

<pallas_src>
import functools

import jax
import jax.numpy as jnp
from jax import lax
from jax.experimental import pallas as pl
from jax.experimental.pallas import tpu as pltpu
from jax.experimental.pallas import tpu_sc as plsc

EMBED_DIM = 64
LANES = 16
NUM_CORES = 2
NUM_SUBCORES = 16
NW = NUM_CORES * NUM_SUBCORES
EPW = EMBED_DIM // NW

_mesh = plsc.VectorSubcoreMesh(core_axis_name="c", subcore_axis_name="s")


def _make_gather(batch: int, hist: int, vocab: int):
  nchunk = batch // LANES
  assert hist % 2 == 0

  @functools.partial(
      pl.kernel,
      mesh=_mesh,
      compiler_params=pltpu.CompilerParams(needs_layout_passes=False),
      out_type=jax.ShapeDtypeStruct((hist, EMBED_DIM, batch), jnp.float32),
      scratch_types=[
          pltpu.VMEM((vocab,), jnp.float32),
          pltpu.VMEM((2, batch), jnp.int32),
          pltpu.VMEM((2, batch), jnp.float32),
      ]
      + [pltpu.SemaphoreType.DMA] * 4,
  )
  def gather_kernel(xt_hbm, tt_hbm, out_hbm, rowbuf, idxbuf, outbuf, *sems):
    isem = sems[:2]
    osem = sems[2:]
    wid = lax.axis_index("s") * NUM_CORES + lax.axis_index("c")

    def fire_idx(h, p):
      pltpu.async_copy(xt_hbm.at[h], idxbuf.at[p], isem[p])

    def wait_idx(h, p):
      pltpu.make_async_copy(xt_hbm.at[h], idxbuf.at[p], isem[p]).wait()

    def fire_out(h, e, p):
      pltpu.async_copy(outbuf.at[p], out_hbm.at[h, e], osem[p])

    def wait_out(h, e, p):
      pltpu.make_async_copy(outbuf.at[p], out_hbm.at[h, e], osem[p]).wait()

    for ei in range(EPW):
      e = wid * EPW + ei
      pltpu.sync_copy(tt_hbm.at[e], rowbuf)
      fire_idx(0, 0)

      def body(g, carry, ei=ei, e=e):
        for p in range(2):
          h = g * 2 + p
          pl.when(h + 1 <= hist - 1)(lambda: fire_idx(h + 1, (p + 1) % 2))
          wait_idx(h, p)
          if ei == 0:
            pl.when(g >= 1)(lambda: wait_out(h - 2, e, p))
          else:
            pl.when(g >= 1)(lambda: wait_out(h - 2, e, p))
            pl.when(g == 0)(lambda: wait_out(hist - 2 + p, e - 1, p))
          @plsc.parallel_loop(0, nchunk, step=1, unroll=8)
          def _(k, p=p):
            sl = pl.ds(k * LANES, LANES)
            outbuf[p, sl] = plsc.load_gather(rowbuf, [idxbuf[p, sl]])
          fire_out(h, e, p)
        return carry

      lax.fori_loop(0, hist // 2, body, 0, unroll=False)

    e_last = wid * EPW + EPW - 1
    for p in range(2):
      wait_out(hist - 2 + p, e_last, p)

  return gather_kernel


def kernel(x, table):
  batch, hist = x.shape
  vocab, _ = table.shape
  out = _make_gather(batch, hist, vocab)(x.T, table.T)
  return out.transpose(2, 0, 1)

# --- scband reference (transcript-rebuilt; emitter-appended) ---
"""Pipeline reference for scband-text-embedding-48730698940597 (READ-ONLY COPY).

The authoritative reference and input builder live on the scoring server;
editing this copy changes nothing except your own understanding.
"""

import jax, jax.numpy as jnp
import numpy as np

VOCAB = 100000
EMBED_DIM = 64
BATCH = 4096
HIST = 50
PADDING_IDX = 0


def setup_inputs(seed: int = 0) -> dict:
    key = jax.random.key(seed)
    k_tab, k_idx = jax.random.split(key)
    table = jax.random.normal(k_tab, (VOCAB, EMBED_DIM), dtype=jnp.float32)
    # nn.Embedding with padding_idx zeroes the padding row at init
    table = table.at[PADDING_IDX].set(0.0)
    x = jax.random.randint(k_idx, (BATCH, HIST), 0, VOCAB)
    return {"x": x, "table": table}


def reference(x, table):
    # Faithful translation of nn.Embedding forward: row gather from the table.
    return jnp.take(table, x, axis=0)

if __name__ == "__main__":
    import jax
    _d = setup_inputs()
    print(jax.jit(kernel)(*tuple(_d.values())))

</pallas_src>

<mosaic_0001>
#map = affine_map<(d0, d1) -> (0, 0)>
#map1 = affine_map<(d0, d1) -> (0, 0, 0)>
module attributes {stable_mosaic.version = 14 : i64} {
  func.func @gather_kernel(%arg0: i32, %arg1: i32, %arg2: memref<50x4096xi32, #tpu.memory_space<hbm>>, %arg3: memref<64x100000xf32, #tpu.memory_space<hbm>>, %arg4: memref<50x64x4096xf32, #tpu.memory_space<hbm>>, %arg5: memref<100000xf32, #tpu.memory_space<vmem>>, %arg6: memref<2x4096xi32, #tpu.memory_space<vmem>>, %arg7: memref<2x4096xf32, #tpu.memory_space<vmem>>, %arg8: memref<!tpu.dma_semaphore, #tpu.memory_space<semaphore_mem>>, %arg9: memref<!tpu.dma_semaphore, #tpu.memory_space<semaphore_mem>>, %arg10: memref<!tpu.dma_semaphore, #tpu.memory_space<semaphore_mem>>, %arg11: memref<!tpu.dma_semaphore, #tpu.memory_space<semaphore_mem>>) attributes {dimension_semantics = [#tpu.dimension_semantics<core_parallel>, #tpu.dimension_semantics<subcore_parallel>], iteration_bounds = array<i64: 2, 16>, scalar_prefetch = 0 : i64, scratch_operands = 7 : i64, tpu.core_type = #tpu.core_type<sc_vector_subcore>, window_params = [{transform_indices = #map}, {transform_indices = #map}, {transform_indices = #map1}]} {
    %mul3A = arith.constant 2 : i32
    %mul3A_0 = arith.muli %arg1, %mul3A : i32
    %add3A = arith.addi %mul3A_0, %arg0 : i32
    %mul3A_1 = arith.constant 2 : i32
    %mul3A_2 = arith.muli %add3A, %mul3A_1 : i32
    %add3A_3 = arith.constant 0 : i32
    %add3A_4 = arith.addi %mul3A_2, %add3A_3 : i32
    "tpu.region"() ({
      %run_scoped3A = tpu.sem_alloc : memref<!tpu.dma_semaphore, #tpu.memory_space<semaphore_mem>>
      %dma_start3A_79 = arith.constant 0 : i32
      %dma_start3A_80 = tpu.memref_slice %arg3[%add3A_4, %dma_start3A_79] : memref<64x100000xf32, #tpu.memory_space<hbm>> -> memref<1x100000xf32, #tpu.memory_space<hbm>>
      %dma_start3A_81 = tpu.memref_squeeze %dma_start3A_80 : memref<1x100000xf32, #tpu.memory_space<hbm>> -> memref<100000xf32, #tpu.memory_space<hbm>>
      %dma_start3A_82 = arith.constant 0 : i32
      %dma_start3A_83 = tpu.memref_slice %arg3[%add3A_4, %dma_start3A_82] : memref<64x100000xf32, #tpu.memory_space<hbm>> -> memref<1x100000xf32, #tpu.memory_space<hbm>>
      %dma_start3A_84 = tpu.memref_squeeze %dma_start3A_83 : memref<1x100000xf32, #tpu.memory_space<hbm>> -> memref<100000xf32, #tpu.memory_space<hbm>>
      tpu.enqueue_dma source(%dma_start3A_84 : memref<100000xf32, #tpu.memory_space<hbm>>) target(%arg5 : memref<100000xf32, #tpu.memory_space<vmem>>) target_semaphore(%run_scoped3A : memref<!tpu.dma_semaphore, #tpu.memory_space<semaphore_mem>>)
      %dma_wait3A_85 = arith.constant 0 : i32
      %dma_wait3A_86 = tpu.memref_slice %arg3[%add3A_4, %dma_wait3A_85] : memref<64x100000xf32, #tpu.memory_space<hbm>> -> memref<1x100000xf32, #tpu.memory_space<hbm>>
      %dma_wait3A_87 = tpu.memref_squeeze %dma_wait3A_86 : memref<1x100000xf32, #tpu.memory_space<hbm>> -> memref<100000xf32, #tpu.memory_space<hbm>>
      %dma_wait3A_88 = arith.constant 0 : i32
      %dma_wait3A_89 = tpu.memref_slice %arg3[%add3A_4, %dma_wait3A_88] : memref<64x100000xf32, #tpu.memory_space<hbm>> -> memref<1x100000xf32, #tpu.memory_space<hbm>>
      %dma_wait3A_90 = tpu.memref_squeeze %dma_wait3A_89 : memref<1x100000xf32, #tpu.memory_space<hbm>> -> memref<100000xf32, #tpu.memory_space<hbm>>
      tpu.wait_dma2 semaphore(%run_scoped3A : memref<!tpu.dma_semaphore, #tpu.memory_space<semaphore_mem>>) src(%dma_wait3A_90 : memref<100000xf32, #tpu.memory_space<hbm>>) dst(%arg5 : memref<100000xf32, #tpu.memory_space<vmem>>)
      tpu.yield
    }) : () -> ()
    %dma_start3A = arith.constant 0 : i32
    %dma_start3A_5 = arith.constant 0 : i32
    %dma_start3A_6 = arith.constant 0 : i32
    %dma_start3A_7 = tpu.memref_slice %arg6[%dma_start3A_5, %dma_start3A_6] : memref<2x4096xi32, #tpu.memory_space<vmem>> -> memref<1x4096xi32, #tpu.memory_space<vmem>>
    %dma_start3A_8 = tpu.memref_squeeze %dma_start3A_7 : memref<1x4096xi32, #tpu.memory_space<vmem>> -> memref<4096xi32, #tpu.memory_space<vmem>>
    %dma_start3A_9 = arith.constant 0 : i32
    %dma_start3A_10 = tpu.memref_slice %arg2[%dma_start3A, %dma_start3A_9] : memref<50x4096xi32, #tpu.memory_space<hbm>> -> memref<1x4096xi32, #tpu.memory_space<hbm>>
    %dma_start3A_11 = tpu.memref_squeeze %dma_start3A_10 : memref<1x4096xi32, #tpu.memory_space<hbm>> -> memref<4096xi32, #tpu.memory_space<hbm>>
    %dma_start3A_12 = arith.constant 0 : i32
    %dma_start3A_13 = tpu.memref_slice %arg6[%dma_start3A_5, %dma_start3A_12] : memref<2x4096xi32, #tpu.memory_space<vmem>> -> memref<1x4096xi32, #tpu.memory_space<vmem>>
    %dma_start3A_14 = tpu.memref_squeeze %dma_start3A_13 : memref<1x4096xi32, #tpu.memory_space<vmem>> -> memref<4096xi32, #tpu.memory_space<vmem>>
    %dma_start3A_15 = arith.constant 0 : i32
    %dma_start3A_16 = tpu.memref_slice %arg2[%dma_start3A, %dma_start3A_15] : memref<50x4096xi32, #tpu.memory_space<hbm>> -> memref<1x4096xi32, #tpu.memory_space<hbm>>
    %dma_start3A_17 = tpu.memref_squeeze %dma_start3A_16 : memref<1x4096xi32, #tpu.memory_space<hbm>> -> memref<4096xi32, #tpu.memory_space<hbm>>
    tpu.enqueue_dma source(%dma_start3A_17 : memref<4096xi32, #tpu.memory_space<hbm>>) target(%dma_start3A_14 : memref<4096xi32, #tpu.memory_space<vmem>>) target_semaphore(%arg8 : memref<!tpu.dma_semaphore, #tpu.memory_space<semaphore_mem>>)
    %scan3A = arith.constant 0 : i32
    %scan3A_18 = arith.constant 0 : i32
    %scan3A_19 = arith.constant 25 : i32
    %scan3A_20 = arith.addi %scan3A_18, %scan3A_19 : i32
    %scan3A_21 = arith.constant 1 : i32
    scf.for %scan3A_79 = %scan3A_18 to %scan3A_20 step %scan3A_21  : i32 {
      %mul3A_80 = arith.constant 2 : i32
      %mul3A_81 = arith.muli %scan3A_79, %mul3A_80 : i32
      %add3A_82 = arith.constant 0 : i32
      %add3A_83 = arith.addi %mul3A_81, %add3A_82 : i32
      %add3A_84 = arith.constant 1 : i32
      %add3A_85 = arith.addi %add3A_83, %add3A_84 : i32
      %le3A = arith.constant 49 : i32
      %le3A_86 = arith.cmpi sle, %add3A_85, %le3A : i32
      %convert_element_type3A = arith.extui %le3A_86 : i1 to i32
      %cond3A = arith.constant 0 : i32
      %cond3A_87 = arith.cmpi ne, %convert_element_type3A, %cond3A : i32
      scf.if %cond3A_87 {
        %add3A_165 = arith.constant 1 : i32
        %add3A_166 = arith.addi %add3A_83, %add3A_165 : i32
        %dma_start3A_167 = arith.constant 1 : i32
        %dma_start3A_168 = arith.constant 0 : i32
        %dma_start3A_169 = tpu.memref_slice %arg6[%dma_start3A_167, %dma_start3A_168] : memref<2x4096xi32, #tpu.memory_space<vmem>> -> memref<1x4096xi32, #tpu.memory_space<vmem>>
        %dma_start3A_170 = tpu.memref_squeeze %dma_start3A_169 : memref<1x4096xi32, #tpu.memory_space<vmem>> -> memref<4096xi32, #tpu.memory_space<vmem>>
        %dma_start3A_171 = arith.constant 0 : i32
        %dma_start3A_172 = tpu.memref_slice %arg2[%add3A_166, %dma_start3A_171] : memref<50x4096xi32, #tpu.memory_space<hbm>> -> memref<1x4096xi32, #tpu.memory_space<hbm>>
        %dma_start3A_173 = tpu.memref_squeeze %dma_start3A_172 : memref<1x4096xi32, #tpu.memory_space<hbm>> -> memref<4096xi32, #tpu.memory_space<hbm>>
        %dma_start3A_174 = arith.constant 0 : i32
        %dma_start3A_175 = tpu.memref_slice %arg6[%dma_start3A_167, %dma_start3A_174] : memref<2x4096xi32, #tpu.memory_space<vmem>> -> memref<1x4096xi32, #tpu.memory_space<vmem>>
        %dma_start3A_176 = tpu.memref_squeeze %dma_start3A_175 : memref<1x4096xi32, #tpu.memory_space<vmem>> -> memref<4096xi32, #tpu.memory_space<vmem>>
        %dma_start3A_177 = arith.constant 0 : i32
        %dma_start3A_178 = tpu.memref_slice %arg2[%add3A_166, %dma_start3A_177] : memref<50x4096xi32, #tpu.memory_space<hbm>> -> memref<1x4096xi32, #tpu.memory_space<hbm>>
        %dma_start3A_179 = tpu.memref_squeeze %dma_start3A_178 : memref<1x4096xi32, #tpu.memory_space<hbm>> -> memref<4096xi32, #tpu.memory_space<hbm>>
        tpu.enqueue_dma source(%dma_start3A_179 : memref<4096xi32, #tpu.memory_space<hbm>>) target(%dma_start3A_176 : memref<4096xi32, #tpu.memory_space<vmem>>) target_semaphore(%arg9 : memref<!tpu.dma_semaphore, #tpu.memory_space<semaphore_mem>>)
      } else {
      }
      %dma_wait3A_88 = arith.constant 0 : i32
      %dma_wait3A_89 = arith.constant 0 : i32
      %dma_wait3A_90 = tpu.memref_slice %arg6[%dma_wait3A_88, %dma_wait3A_89] : memref<2x4096xi32, #tpu.memory_space<vmem>> -> memref<1x4096xi32, #tpu.memory_space<vmem>>
      %dma_wait3A_91 = tpu.memref_squeeze %dma_wait3A_90 : memref<1x4096xi32, #tpu.memory_space<vmem>> -> memref<4096xi32, #tpu.memory_space<vmem>>
      %dma_wait3A_92 = arith.constant 0 : i32
      %dma_wait3A_93 = tpu.memref_slice %arg2[%add3A_83, %dma_wait3A_92] : memref<50x4096xi32, #tpu.memory_space<hbm>> -> memref<1x4096xi32, #tpu.memory_space<hbm>>
      %dma_wait3A_94 = tpu.memref_squeeze %dma_wait3A_93 : memref<1x4096xi32, #tpu.memory_space<hbm>> -> memref<4096xi32, #tpu.memory_space<hbm>>
      %dma_wait3A_95 = arith.constant 0 : i32
      %dma_wait3A_96 = tpu.memref_slice %arg6[%dma_wait3A_88, %dma_wait3A_95] : memref<2x4096xi32, #tpu.memory_space<vmem>> -> memref<1x4096xi32, #tpu.memory_space<vmem>>
      %dma_wait3A_97 = tpu.memref_squeeze %dma_wait3A_96 : memref<1x4096xi32, #tpu.memory_space<vmem>> -> memref<4096xi32, #tpu.memory_space<vmem>>
      %dma_wait3A_98 = arith.constant 0 : i32
      %dma_wait3A_99 = tpu.memref_slice %arg2[%add3A_83, %dma_wait3A_98] : memref<50x4096xi32, #tpu.memory_space<hbm>> -> memref<1x4096xi32, #tpu.memory_space<hbm>>
      %dma_wait3A_100 = tpu.memref_squeeze %dma_wait3A_99 : memref<1x4096xi32, #tpu.memory_space<hbm>> -> memref<4096xi32, #tpu.memory_space<hbm>>
      tpu.wait_dma2 semaphore(%arg8 : memref<!tpu.dma_semaphore, #tpu.memory_space<semaphore_mem>>) src(%dma_wait3A_100 : memref<4096xi32, #tpu.memory_space<hbm>>) dst(%dma_wait3A_97 : memref<4096xi32, #tpu.memory_space<vmem>>)
      %ge3A = arith.constant 1 : i32
      %ge3A_101 = arith.cmpi sge, %scan3A_79, %ge3A : i32
      %convert_element_type3A_102 = arith.extui %ge3A_101 : i1 to i32
      %cond3A_103 = arith.constant 0 : i32
      %cond3A_104 = arith.cmpi ne, %convert_element_type3A_102, %cond3A_103 : i32
      scf.if %cond3A_104 {
        %sub3A_165 = arith.constant 2 : i32
        %sub3A_166 = arith.subi %add3A_83, %sub3A_165 : i32
        %dma_wait3A_167 = arith.constant 0 : i32
        %dma_wait3A_168 = arith.constant 0 : i32
        %dma_wait3A_169 = tpu.memref_slice %arg7[%dma_wait3A_167, %dma_wait3A_168] : memref<2x4096xf32, #tpu.memory_space<vmem>> -> memref<1x4096xf32, #tpu.memory_space<vmem>>
        %dma_wait3A_170 = tpu.memref_squeeze %dma_wait3A_169 : memref<1x4096xf32, #tpu.memory_space<vmem>> -> memref<4096xf32, #tpu.memory_space<vmem>>
        %dma_wait3A_171 = arith.constant 0 : i32
        %dma_wait3A_172 = tpu.memref_slice %arg4[%sub3A_166, %add3A_4, %dma_wait3A_171] : memref<50x64x4096xf32, #tpu.memory_space<hbm>> -> memref<1x1x4096xf32, #tpu.memory_space<hbm>>
        %dma_wait3A_173 = tpu.memref_squeeze %dma_wait3A_172 : memref<1x1x4096xf32, #tpu.memory_space<hbm>> -> memref<4096xf32, #tpu.memory_space<hbm>>
        %dma_wait3A_174 = arith.constant 0 : i32
        %dma_wait3A_175 = tpu.memref_slice %arg4[%sub3A_166, %add3A_4, %dma_wait3A_174] : memref<50x64x4096xf32, #tpu.memory_space<hbm>> -> memref<1x1x4096xf32, #tpu.memory_space<hbm>>
        %dma_wait3A_176 = tpu.memref_squeeze %dma_wait3A_175 : memref<1x1x4096xf32, #tpu.memory_space<hbm>> -> memref<4096xf32, #tpu.memory_space<hbm>>
        %dma_wait3A_177 = arith.constant 0 : i32
        %dma_wait3A_178 = tpu.memref_slice %arg7[%dma_wait3A_167, %dma_wait3A_177] : memref<2x4096xf32, #tpu.memory_space<vmem>> -> memref<1x4096xf32, #tpu.memory_space<vmem>>
        %dma_wait3A_179 = tpu.memref_squeeze %dma_wait3A_178 : memref<1x4096xf32, #tpu.memory_space<vmem>> -> memref<4096xf32, #tpu.memory_space<vmem>>
        tpu.wait_dma2 semaphore(%arg10 : memref<!tpu.dma_semaphore, #tpu.memory_space<semaphore_mem>>) src(%dma_wait3A_179 : memref<4096xf32, #tpu.memory_space<vmem>>) dst(%dma_wait3A_176 : memref<4096xf32, #tpu.memory_space<hbm>>)
      } else {
      }
      %parallel_loop3A = arith.constant 0 : i32
      %parallel_loop3A_105 = arith.constant 256 : i32
      %parallel_loop3A_106 = arith.constant 1 : i32
      scf.for %parallel_loop3A_165 = %parallel_loop3A to %parallel_loop3A_105 step %parallel_loop3A_106  : i32 {
        %parallel_loop3A_166 = arith.constant 16 : i32
        %parallel_loop3A_167 = arith.muli %parallel_loop3A_165, %parallel_loop3A_166 : i32
        %parallel_loop3A_168 = arith.constant 0 : i32
        %parallel_loop3A_169 = arith.index_cast %parallel_loop3A_168 : i32 to index
        %parallel_loop3A_170 = arith.index_cast %parallel_loop3A_167 : i32 to index
        %parallel_loop3A_171 = tpu.vector_load %arg6[%parallel_loop3A_169, %parallel_loop3A_170] {strides = array<i32>} : memref<2x4096xi32, #tpu.memory_space<vmem>>, vector<16xi32>,
        %parallel_loop3A_172 = tpu.vector_load_idx %arg5[%parallel_loop3A_171] : memref<100000xf32, #tpu.memory_space<vmem>>[vector<16xi32>], vector<16xf32>,
        %parallel_loop3A_173 = arith.constant 0 : i32
        %parallel_loop3A_174 = arith.index_cast %parallel_loop3A_173 : i32 to index
        %parallel_loop3A_175 = arith.index_cast %parallel_loop3A_167 : i32 to index
        %parallel_loop3A_176 = tpu.vector_load %arg7[%parallel_loop3A_174, %parallel_loop3A_175] {strides = array<i32>} : memref<2x4096xf32, #tpu.memory_space<vmem>>, vector<16xf32>,
        tpu.vector_store %arg7[%parallel_loop3A_174, %parallel_loop3A_175], %parallel_loop3A_172 {strides = array<i32>} : memref<2x4096xf32, #tpu.memory_space<vmem>>, vector<16xf32>,
      } {sc.loop_unroll_factor = 8 : i64, sc.parallel_access}
      %dma_start3A_107 = arith.constant 0 : i32
      %dma_start3A_108 = arith.constant 0 : i32
      %dma_start3A_109 = tpu.memref_slice %arg7[%dma_start3A_107, %dma_start3A_108] : memref<2x4096xf32, #tpu.memory_space<vmem>> -> memref<1x4096xf32, #tpu.memory_space<vmem>>
      %dma_start3A_110 = tpu.memref_squeeze %dma_start3A_109 : memref<1x4096xf32, #tpu.memory_space<vmem>> -> memref<4096xf32, #tpu.memory_space<vmem>>
      %dma_start3A_111 = arith.constant 0 : i32
      %dma_start3A_112 = tpu.memref_slice %arg4[%add3A_83, %add3A_4, %dma_start3A_111] : memref<50x64x4096xf32, #tpu.memory_space<hbm>> -> memref<1x1x4096xf32, #tpu.memory_space<hbm>>
      %dma_start3A_113 = tpu.memref_squeeze %dma_start3A_112 : memref<1x1x4096xf32, #tpu.memory_space<hbm>> -> memref<4096xf32, #tpu.memory_space<hbm>>
      %dma_start3A_114 = arith.constant 0 : i32
      %dma_start3A_115 = tpu.memref_slice %arg4[%add3A_83, %add3A_4, %dma_start3A_114] : memref<50x64x4096xf32, #tpu.memory_space<hbm>> -> memref<1x1x4096xf32, #tpu.memory_space<hbm>>
      %dma_start3A_116 = tpu.memref_squeeze %dma_start3A_115 : memref<1x1x4096xf32, #tpu.memory_space<hbm>> -> memref<4096xf32, #tpu.memory_space<hbm>>
      %dma_start3A_117 = arith.constant 0 : i32
      %dma_start3A_118 = tpu.memref_slice %arg7[%dma_start3A_107, %dma_start3A_117] : memref<2x4096xf32, #tpu.memory_space<vmem>> -> memref<1x4096xf32, #tpu.memory_space<vmem>>
      %dma_start3A_119 = tpu.memref_squeeze %dma_start3A_118 : memref<1x4096xf32, #tpu.memory_space<vmem>> -> memref<4096xf32, #tpu.memory_space<vmem>>
      tpu.enqueue_dma source(%dma_start3A_119 : memref<4096xf32, #tpu.memory_space<vmem>>) target(%dma_start3A_116 : memref<4096xf32, #tpu.memory_space<hbm>>) target_semaphore(%arg10 : memref<!tpu.dma_semaphore, #tpu.memory_space<semaphore_mem>>)
      %mul3A_120 = arith.constant 2 : i32
      %mul3A_121 = arith.muli %scan3A_79, %mul3A_120 : i32
      %add3A_122 = arith.constant 1 : i32
      %add3A_123 = arith.addi %mul3A_121, %add3A_122 : i32
      %add3A_124 = arith.constant 1 : i32
      %add3A_125 = arith.addi %add3A_123, %add3A_124 : i32
      %le3A_126 = arith.constant 49 : i32
      %le3A_127 = arith.cmpi sle, %add3A_125, %le3A_126 : i32
      %convert_element_type3A_128 = arith.extui %le3A_127 : i1 to i32
      %cond3A_129 = arith.constant 0 : i32
      %cond3A_130 = arith.cmpi ne, %convert_element_type3A_128, %cond3A_129 : i32
      scf.if %cond3A_130 {
        %add3A_165 = arith.constant 1 : i32
        %add3A_166 = arith.addi %add3A_123, %add3A_165 : i32
        %dma_start3A_167 = arith.constant 0 : i32
        %dma_start3A_168 = arith.constant 0 : i32
        %dma_start3A_169 = tpu.memref_slice %arg6[%dma_start3A_167, %dma_start3A_168] : memref<2x4096xi32, #tpu.memory_space<vmem>> -> memref<1x4096xi32, #tpu.memory_space<vmem>>
        %dma_start3A_170 = tpu.memref_squeeze %dma_start3A_169 : memref<1x4096xi32, #tpu.memory_space<vmem>> -> memref<4096xi32, #tpu.memory_space<vmem>>
        %dma_start3A_171 = arith.constant 0 : i32
        %dma_start3A_172 = tpu.memref_slice %arg2[%add3A_166, %dma_start3A_171] : memref<50x4096xi32, #tpu.memory_space<hbm>> -> memref<1x4096xi32, #tpu.memory_space<hbm>>
        %dma_start3A_173 = tpu.memref_squeeze %dma_start3A_172 : memref<1x4096xi32, #tpu.memory_space<hbm>> -> memref<4096xi32, #tpu.memory_space<hbm>>
        %dma_start3A_174 = arith.constant 0 : i32
        %dma_start3A_175 = tpu.memref_slice %arg6[%dma_start3A_167, %dma_start3A_174] : memref<2x4096xi32, #tpu.memory_space<vmem>> -> memref<1x4096xi32, #tpu.memory_space<vmem>>
        %dma_start3A_176 = tpu.memref_squeeze %dma_start3A_175 : memref<1x4096xi32, #tpu.memory_space<vmem>> -> memref<4096xi32, #tpu.memory_space<vmem>>
        %dma_start3A_177 = arith.constant 0 : i32
        %dma_start3A_178 = tpu.memref_slice %arg2[%add3A_166, %dma_start3A_177] : memref<50x4096xi32, #tpu.memory_space<hbm>> -> memref<1x4096xi32, #tpu.memory_space<hbm>>
        %dma_start3A_179 = tpu.memref_squeeze %dma_start3A_178 : memref<1x4096xi32, #tpu.memory_space<hbm>> -> memref<4096xi32, #tpu.memory_space<hbm>>
        tpu.enqueue_dma source(%dma_start3A_179 : memref<4096xi32, #tpu.memory_space<hbm>>) target(%dma_start3A_176 : memref<4096xi32, #tpu.memory_space<vmem>>) target_semaphore(%arg8 : memref<!tpu.dma_semaphore, #tpu.memory_space<semaphore_mem>>)
      } else {
      }
      %dma_wait3A_131 = arith.constant 1 : i32
      %dma_wait3A_132 = arith.constant 0 : i32
      %dma_wait3A_133 = tpu.memref_slice %arg6[%dma_wait3A_131, %dma_wait3A_132] : memref<2x4096xi32, #tpu.memory_space<vmem>> -> memref<1x4096xi32, #tpu.memory_space<vmem>>
      %dma_wait3A_134 = tpu.memref_squeeze %dma_wait3A_133 : memref<1x4096xi32, #tpu.memory_space<vmem>> -> memref<4096xi32, #tpu.memory_space<vmem>>
      %dma_wait3A_135 = arith.constant 0 : i32
      %dma_wait3A_136 = tpu.memref_slice %arg2[%add3A_123, %dma_wait3A_135] : memref<50x4096xi32, #tpu.memory_space<hbm>> -> memref<1x4096xi32, #tpu.memory_space<hbm>>
      %dma_wait3A_137 = tpu.memref_squeeze %dma_wait3A_136 : memref<1x4096xi32, #tpu.memory_space<hbm>> -> memref<4096xi32, #tpu.memory_space<hbm>>
      %dma_wait3A_138 = arith.constant 0 : i32
      %dma_wait3A_139 = tpu.memref_slice %arg6[%dma_wait3A_131, %dma_wait3A_138] : memref<2x4096xi32, #tpu.memory_space<vmem>> -> memref<1x4096xi32, #tpu.memory_space<vmem>>
      %dma_wait3A_140 = tpu.memref_squeeze %dma_wait3A_139 : memref<1x4096xi32, #tpu.memory_space<vmem>> -> memref<4096xi32, #tpu.memory_space<vmem>>
      %dma_wait3A_141 = arith.constant 0 : i32
      %dma_wait3A_142 = tpu.memref_slice %arg2[%add3A_123, %dma_wait3A_141] : memref<50x4096xi32, #tpu.memory_space<hbm>> -> memref<1x4096xi32, #tpu.memory_space<hbm>>
      %dma_wait3A_143 = tpu.memref_squeeze %dma_wait3A_142 : memref<1x4096xi32, #tpu.memory_space<hbm>> -> memref<4096xi32, #tpu.memory_space<hbm>>
      tpu.wait_dma2 semaphore(%arg9 : memref<!tpu.dma_semaphore, #tpu.memory_space<semaphore_mem>>) src(%dma_wait3A_143 : memref<4096xi32, #tpu.memory_space<hbm>>) dst(%dma_wait3A_140 : memref<4096xi32, #tpu.memory_space<vmem>>)
      %ge3A_144 = arith.constant 1 : i32
      %ge3A_145 = arith.cmpi sge, %scan3A_79, %ge3A_144 : i32
      %convert_element_type3A_146 = arith.extui %ge3A_145 : i1 to i32
      %cond3A_147 = arith.constant 0 : i32
      %cond3A_148 = arith.cmpi ne, %convert_element_type3A_146, %cond3A_147 : i32
      scf.if %cond3A_148 {
        %sub3A_165 = arith.constant 2 : i32
        %sub3A_166 = arith.subi %add3A_123, %sub3A_165 : i32
        %dma_wait3A_167 = arith.constant 1 : i32
        %dma_wait3A_168 = arith.constant 0 : i32
        %dma_wait3A_169 = tpu.memref_slice %arg7[%dma_wait3A_167, %dma_wait3A_168] : memref<2x4096xf32, #tpu.memory_space<vmem>> -> memref<1x4096xf32, #tpu.memory_space<vmem>>
        %dma_wait3A_170 = tpu.memref_squeeze %dma_wait3A_169 : memref<1x4096xf32, #tpu.memory_space<vmem>> -> memref<4096xf32, #tpu.memory_space<vmem>>
        %dma_wait3A_171 = arith.constant 0 : i32
        %dma_wait3A_172 = tpu.memref_slice %arg4[%sub3A_166, %add3A_4, %dma_wait3A_171] : memref<50x64x4096xf32, #tpu.memory_space<hbm>> -> memref<1x1x4096xf32, #tpu.memory_space<hbm>>
        %dma_wait3A_173 = tpu.memref_squeeze %dma_wait3A_172 : memref<1x1x4096xf32, #tpu.memory_space<hbm>> -> memref<4096xf32, #tpu.memory_space<hbm>>
        %dma_wait3A_174 = arith.constant 0 : i32
        %dma_wait3A_175 = tpu.memref_slice %arg4[%sub3A_166, %add3A_4, %dma_wait3A_174] : memref<50x64x4096xf32, #tpu.memory_space<hbm>> -> memref<1x1x4096xf32, #tpu.memory_space<hbm>>
        %dma_wait3A_176 = tpu.memref_squeeze %dma_wait3A_175 : memref<1x1x4096xf32, #tpu.memory_space<hbm>> -> memref<4096xf32, #tpu.memory_space<hbm>>
        %dma_wait3A_177 = arith.constant 0 : i32
        %dma_wait3A_178 = tpu.memref_slice %arg7[%dma_wait3A_167, %dma_wait3A_177] : memref<2x4096xf32, #tpu.memory_space<vmem>> -> memref<1x4096xf32, #tpu.memory_space<vmem>>
        %dma_wait3A_179 = tpu.memref_squeeze %dma_wait3A_178 : memref<1x4096xf32, #tpu.memory_space<vmem>> -> memref<4096xf32, #tpu.memory_space<vmem>>
        tpu.wait_dma2 semaphore(%arg11 : memref<!tpu.dma_semaphore, #tpu.memory_space<semaphore_mem>>) src(%dma_wait3A_179 : memref<4096xf32, #tpu.memory_space<vmem>>) dst(%dma_wait3A_176 : memref<4096xf32, #tpu.memory_space<hbm>>)
      } else {
      }
      %parallel_loop3A_149 = arith.constant 0 : i32
      %parallel_loop3A_150 = arith.constant 256 : i32
      %parallel_loop3A_151 = arith.constant 1 : i32
      scf.for %parallel_loop3A_165 = %parallel_loop3A_149 to %parallel_loop3A_150 step %parallel_loop3A_151  : i32 {
        %parallel_loop3A_166 = arith.constant 16 : i32
        %parallel_loop3A_167 = arith.muli %parallel_loop3A_165, %parallel_loop3A_166 : i32
        %parallel_loop3A_168 = arith.constant 1 : i32
        %parallel_loop3A_169 = arith.index_cast %parallel_loop3A_168 : i32 to index
        %parallel_loop3A_170 = arith.index_cast %parallel_loop3A_167 : i32 to index
        %parallel_loop3A_171 = tpu.vector_load %arg6[%parallel_loop3A_169, %parallel_loop3A_170] {strides = array<i32>} : memref<2x4096xi32, #tpu.memory_space<vmem>>, vector<16xi32>,
        %parallel_loop3A_172 = tpu.vector_load_idx %arg5[%parallel_loop3A_171] : memref<100000xf32, #tpu.memory_space<vmem>>[vector<16xi32>], vector<16xf32>,
        %parallel_loop3A_173 = arith.constant 1 : i32
        %parallel_loop3A_174 = arith.index_cast %parallel_loop3A_173 : i32 to index
        %parallel_loop3A_175 = arith.index_cast %parallel_loop3A_167 : i32 to index
        %parallel_loop3A_176 = tpu.vector_load %arg7[%parallel_loop3A_174, %parallel_loop3A_175] {strides = array<i32>} : memref<2x4096xf32, #tpu.memory_space<vmem>>, vector<16xf32>,
        tpu.vector_store %arg7[%parallel_loop3A_174, %parallel_loop3A_175], %parallel_loop3A_172 {strides = array<i32>} : memref<2x4096xf32, #tpu.memory_space<vmem>>, vector<16xf32>,
      } {sc.loop_unroll_factor = 8 : i64, sc.parallel_access}
      %dma_start3A_152 = arith.constant 1 : i32
      %dma_start3A_153 = arith.constant 0 : i32
      %dma_start3A_154 = tpu.memref_slice %arg7[%dma_start3A_152, %dma_start3A_153] : memref<2x4096xf32, #tpu.memory_space<vmem>> -> memref<1x4096xf32, #tpu.memory_space<vmem>>
      %dma_start3A_155 = tpu.memref_squeeze %dma_start3A_154 : memref<1x4096xf32, #tpu.memory_space<vmem>> -> memref<4096xf32, #tpu.memory_space<vmem>>
      %dma_start3A_156 = arith.constant 0 : i32
      %dma_start3A_157 = tpu.memref_slice %arg4[%add3A_123, %add3A_4, %dma_start3A_156] : memref<50x64x4096xf32, #tpu.memory_space<hbm>> -> memref<1x1x4096xf32, #tpu.memory_space<hbm>>
      %dma_start3A_158 = tpu.memref_squeeze %dma_start3A_157 : memref<1x1x4096xf32, #tpu.memory_space<hbm>> -> memref<4096xf32, #tpu.memory_space<hbm>>
      %dma_start3A_159 = arith.constant 0 : i32
      %dma_start3A_160 = tpu.memref_slice %arg4[%add3A_123, %add3A_4, %dma_start3A_159] : memref<50x64x4096xf32, #tpu.memory_space<hbm>> -> memref<1x1x4096xf32, #tpu.memory_space<hbm>>
      %dma_start3A_161 = tpu.memref_squeeze %dma_start3A_160 : memref<1x1x4096xf32, #tpu.memory_space<hbm>> -> memref<4096xf32, #tpu.memory_space<hbm>>
      %dma_start3A_162 = arith.constant 0 : i32
      %dma_start3A_163 = tpu.memref_slice %arg7[%dma_start3A_152, %dma_start3A_162] : memref<2x4096xf32, #tpu.memory_space<vmem>> -> memref<1x4096xf32, #tpu.memory_space<vmem>>
      %dma_start3A_164 = tpu.memref_squeeze %dma_start3A_163 : memref<1x4096xf32, #tpu.memory_space<vmem>> -> memref<4096xf32, #tpu.memory_space<vmem>>
      tpu.enqueue_dma source(%dma_start3A_164 : memref<4096xf32, #tpu.memory_space<vmem>>) target(%dma_start3A_161 : memref<4096xf32, #tpu.memory_space<hbm>>) target_semaphore(%arg11 : memref<!tpu.dma_semaphore, #tpu.memory_space<semaphore_mem>>)
    }
    %scan3A_22 = arith.constant 25 : i32
    %mul3A_23 = arith.constant 2 : i32
    %mul3A_24 = arith.muli %add3A, %mul3A_23 : i32
    %add3A_25 = arith.constant 1 : i32
    %add3A_26 = arith.addi %mul3A_24, %add3A_25 : i32
    "tpu.region"() ({
      %run_scoped3A = tpu.sem_alloc : memref<!tpu.dma_semaphore, #tpu.memory_space<semaphore_mem>>
      %dma_start3A_79 = arith.constant 0 : i32
      %dma_start3A_80 = tpu.memref_slice %arg3[%add3A_26, %dma_start3A_79] : memref<64x100000xf32, #tpu.memory_space<hbm>> -> memref<1x100000xf32, #tpu.memory_space<hbm>>
      %dma_start3A_81 = tpu.memref_squeeze %dma_start3A_80 : memref<1x100000xf32, #tpu.memory_space<hbm>> -> memref<100000xf32, #tpu.memory_space<hbm>>
      %dma_start3A_82 = arith.constant 0 : i32
      %dma_start3A_83 = tpu.memref_slice %arg3[%add3A_26, %dma_start3A_82] : memref<64x100000xf32, #tpu.memory_space<hbm>> -> memref<1x100000xf32, #tpu.memory_space<hbm>>
      %dma_start3A_84 = tpu.memref_squeeze %dma_start3A_83 : memref<1x100000xf32, #tpu.memory_space<hbm>> -> memref<100000xf32, #tpu.memory_space<hbm>>
      tpu.enqueue_dma source(%dma_start3A_84 : memref<100000xf32, #tpu.memory_space<hbm>>) target(%arg5 : memref<100000xf32, #tpu.memory_space<vmem>>) target_semaphore(%run_scoped3A : memref<!tpu.dma_semaphore, #tpu.memory_space<semaphore_mem>>)
      %dma_wait3A_85 = arith.constant 0 : i32
      %dma_wait3A_86 = tpu.memref_slice %arg3[%add3A_26, %dma_wait3A_85] : memref<64x100000xf32, #tpu.memory_space<hbm>> -> memref<1x100000xf32, #tpu.memory_space<hbm>>
      %dma_wait3A_87 = tpu.memref_squeeze %dma_wait3A_86 : memref<1x100000xf32, #tpu.memory_space<hbm>> -> memref<100000xf32, #tpu.memory_space<hbm>>
      %dma_wait3A_88 = arith.constant 0 : i32
      %dma_wait3A_89 = tpu.memref_slice %arg3[%add3A_26, %dma_wait3A_88] : memref<64x100000xf32, #tpu.memory_space<hbm>> -> memref<1x100000xf32, #tpu.memory_space<hbm>>
      %dma_wait3A_90 = tpu.memref_squeeze %dma_wait3A_89 : memref<1x100000xf32, #tpu.memory_space<hbm>> -> memref<100000xf32, #tpu.memory_space<hbm>>
      tpu.wait_dma2 semaphore(%run_scoped3A : memref<!tpu.dma_semaphore, #tpu.memory_space<semaphore_mem>>) src(%dma_wait3A_90 : memref<100000xf32, #tpu.memory_space<hbm>>) dst(%arg5 : memref<100000xf32, #tpu.memory_space<vmem>>)
      tpu.yield
    }) : () -> ()
    %dma_start3A_27 = arith.constant 0 : i32
    %dma_start3A_28 = arith.constant 0 : i32
    %dma_start3A_29 = arith.constant 0 : i32
    %dma_start3A_30 = tpu.memref_slice %arg6[%dma_start3A_28, %dma_start3A_29] : memref<2x4096xi32, #tpu.memory_space<vmem>> -> memref<1x4096xi32, #tpu.memory_space<vmem>>
    %dma_start3A_31 = tpu.memref_squeeze %dma_start3A_30 : memref<1x4096xi32, #tpu.memory_space<vmem>> -> memref<4096xi32, #tpu.memory_space<vmem>>
    %dma_start3A_32 = arith.constant 0 : i32
    %dma_start3A_33 = tpu.memref_slice %arg2[%dma_start3A_27, %dma_start3A_32] : memref<50x4096xi32, #tpu.memory_space<hbm>> -> memref<1x4096xi32, #tpu.memory_space<hbm>>
    %dma_start3A_34 = tpu.memref_squeeze %dma_start3A_33 : memref<1x4096xi32, #tpu.memory_space<hbm>> -> memref<4096xi32, #tpu.memory_space<hbm>>
    %dma_start3A_35 = arith.constant 0 : i32
    %dma_start3A_36 = tpu.memref_slice %arg6[%dma_start3A_28, %dma_start3A_35] : memref<2x4096xi32, #tpu.memory_space<vmem>> -> memref<1x4096xi32, #tpu.memory_space<vmem>>
    %dma_start3A_37 = tpu.memref_squeeze %dma_start3A_36 : memref<1x4096xi32, #tpu.memory_space<vmem>> -> memref<4096xi32, #tpu.memory_space<vmem>>
    %dma_start3A_38 = arith.constant 0 : i32
    %dma_start3A_39 = tpu.memref_slice %arg2[%dma_start3A_27, %dma_start3A_38] : memref<50x4096xi32, #tpu.memory_space<hbm>> -> memref<1x4096xi32, #tpu.memory_space<hbm>>
    %dma_start3A_40 = tpu.memref_squeeze %dma_start3A_39 : memref<1x4096xi32, #tpu.memory_space<hbm>> -> memref<4096xi32, #tpu.memory_space<hbm>>
    tpu.enqueue_dma source(%dma_start3A_40 : memref<4096xi32, #tpu.memory_space<hbm>>) target(%dma_start3A_37 : memref<4096xi32, #tpu.memory_space<vmem>>) target_semaphore(%arg8 : memref<!tpu.dma_semaphore, #tpu.memory_space<semaphore_mem>>)
    %scan3A_41 = arith.constant 0 : i32
    %scan3A_42 = arith.constant 0 : i32
    %scan3A_43 = arith.constant 25 : i32
    %scan3A_44 = arith.addi %scan3A_42, %scan3A_43 : i32
    %scan3A_45 = arith.constant 1 : i32
    scf.for %scan3A_79 = %scan3A_42 to %scan3A_44 step %scan3A_45  : i32 {
      %mul3A_80 = arith.constant 2 : i32
      %mul3A_81 = arith.muli %scan3A_79, %mul3A_80 : i32
      %add3A_82 = arith.constant 0 : i32
      %add3A_83 = arith.addi %mul3A_81, %add3A_82 : i32
      %add3A_84 = arith.constant 1 : i32
      %add3A_85 = arith.addi %add3A_83, %add3A_84 : i32
      %le3A = arith.constant 49 : i32
      %le3A_86 = arith.cmpi sle, %add3A_85, %le3A : i32
      %convert_element_type3A = arith.extui %le3A_86 : i1 to i32
      %cond3A = arith.constant 0 : i32
      %cond3A_87 = arith.cmpi ne, %convert_element_type3A, %cond3A : i32
      scf.if %cond3A_87 {
        %add3A_174 = arith.constant 1 : i32
        %add3A_175 = arith.addi %add3A_83, %add3A_174 : i32
        %dma_start3A_176 = arith.constant 1 : i32
        %dma_start3A_177 = arith.constant 0 : i32
        %dma_start3A_178 = tpu.memref_slice %arg6[%dma_start3A_176, %dma_start3A_177] : memref<2x4096xi32, #tpu.memory_space<vmem>> -> memref<1x4096xi32, #tpu.memory_space<vmem>>
        %dma_start3A_179 = tpu.memref_squeeze %dma_start3A_178 : memref<1x4096xi32, #tpu.memory_space<vmem>> -> memref<4096xi32, #tpu.memory_space<vmem>>
        %dma_start3A_180 = arith.constant 0 : i32
        %dma_start3A_181 = tpu.memref_slice %arg2[%add3A_175, %dma_start3A_180] : memref<50x4096xi32, #tpu.memory_space<hbm>> -> memref<1x4096xi32, #tpu.memory_space<hbm>>
        %dma_start3A_182 = tpu.memref_squeeze %dma_start3A_181 : memref<1x4096xi32, #tpu.memory_space<hbm>> -> memref<4096xi32, #tpu.memory_space<hbm>>
        %dma_start3A_183 = arith.constant 0 : i32
        %dma_start3A_184 = tpu.memref_slice %arg6[%dma_start3A_176, %dma_start3A_183] : memref<2x4096xi32, #tpu.memory_space<vmem>> -> memref<1x4096xi32, #tpu.memory_space<vmem>>
        %dma_start3A_185 = tpu.memref_squeeze %dma_start3A_184 : memref<1x4096xi32, #tpu.memory_space<vmem>> -> memref<4096xi32, #tpu.memory_space<vmem>>
        %dma_start3A_186 = arith.constant 0 : i32
        %dma_start3A_187 = tpu.memref_slice %arg2[%add3A_175, %dma_start3A_186] : memref<50x4096xi32, #tpu.memory_space<hbm>> -> memref<1x4096xi32, #tpu.memory_space<hbm>>
        %dma_start3A_188 = tpu.memref_squeeze %dma_start3A_187 : memref<1x4096xi32, #tpu.memory_space<hbm>> -> memref<4096xi32, #tpu.memory_space<hbm>>
        tpu.enqueue_dma source(%dma_start3A_188 : memref<4096xi32, #tpu.memory_space<hbm>>) target(%dma_start3A_185 : memref<4096xi32, #tpu.memory_space<vmem>>) target_semaphore(%arg9 : memref<!tpu.dma_semaphore, #tpu.memory_space<semaphore_mem>>)
      } else {
      }
      %dma_wait3A_88 = arith.constant 0 : i32
      %dma_wait3A_89 = arith.constant 0 : i32
      %dma_wait3A_90 = tpu.memref_slice %arg6[%dma_wait3A_88, %dma_wait3A_89] : memref<2x4096xi32, #tpu.memory_space<vmem>> -> memref<1x4096xi32, #tpu.memory_space<vmem>>
      %dma_wait3A_91 = tpu.memref_squeeze %dma_wait3A_90 : memref<1x4096xi32, #tpu.memory_space<vmem>> -> memref<4096xi32, #tpu.memory_space<vmem>>
      %dma_wait3A_92 = arith.constant 0 : i32
      %dma_wait3A_93 = tpu.memref_slice %arg2[%add3A_83, %dma_wait3A_92] : memref<50x4096xi32, #tpu.memory_space<hbm>> -> memref<1x4096xi32, #tpu.memory_space<hbm>>
      %dma_wait3A_94 = tpu.memref_squeeze %dma_wait3A_93 : memref<1x4096xi32, #tpu.memory_space<hbm>> -> memref<4096xi32, #tpu.memory_space<hbm>>
      %dma_wait3A_95 = arith.constant 0 : i32
      %dma_wait3A_96 = tpu.memref_slice %arg6[%dma_wait3A_88, %dma_wait3A_95] : memref<2x4096xi32, #tpu.memory_space<vmem>> -> memref<1x4096xi32, #tpu.memory_space<vmem>>
      %dma_wait3A_97 = tpu.memref_squeeze %dma_wait3A_96 : memref<1x4096xi32, #tpu.memory_space<vmem>> -> memref<4096xi32, #tpu.memory_space<vmem>>
      %dma_wait3A_98 = arith.constant 0 : i32
      %dma_wait3A_99 = tpu.memref_slice %arg2[%add3A_83, %dma_wait3A_98] : memref<50x4096xi32, #tpu.memory_space<hbm>> -> memref<1x4096xi32, #tpu.memory_space<hbm>>
      %dma_wait3A_100 = tpu.memref_squeeze %dma_wait3A_99 : memref<1x4096xi32, #tpu.memory_space<hbm>> -> memref<4096xi32, #tpu.memory_space<hbm>>
      tpu.wait_dma2 semaphore(%arg8 : memref<!tpu.dma_semaphore, #tpu.memory_space<semaphore_mem>>) src(%dma_wait3A_100 : memref<4096xi32, #tpu.memory_space<hbm>>) dst(%dma_wait3A_97 : memref<4096xi32, #tpu.memory_space<vmem>>)
      %ge3A = arith.constant 1 : i32
      %ge3A_101 = arith.cmpi sge, %scan3A_79, %ge3A : i32
      %convert_element_type3A_102 = arith.extui %ge3A_101 : i1 to i32
      %cond3A_103 = arith.constant 0 : i32
      %cond3A_104 = arith.cmpi ne, %convert_element_type3A_102, %cond3A_103 : i32
      scf.if %cond3A_104 {
        %sub3A_174 = arith.constant 2 : i32
        %sub3A_175 = arith.subi %add3A_83, %sub3A_174 : i32
        %dma_wait3A_176 = arith.constant 0 : i32
        %dma_wait3A_177 = arith.constant 0 : i32
        %dma_wait3A_178 = tpu.memref_slice %arg7[%dma_wait3A_176, %dma_wait3A_177] : memref<2x4096xf32, #tpu.memory_space<vmem>> -> memref<1x4096xf32, #tpu.memory_space<vmem>>
        %dma_wait3A_179 = tpu.memref_squeeze %dma_wait3A_178 : memref<1x4096xf32, #tpu.memory_space<vmem>> -> memref<4096xf32, #tpu.memory_space<vmem>>
        %dma_wait3A_180 = arith.constant 0 : i32
        %dma_wait3A_181 = tpu.memref_slice %arg4[%sub3A_175, %add3A_26, %dma_wait3A_180] : memref<50x64x4096xf32, #tpu.memory_space<hbm>> -> memref<1x1x4096xf32, #tpu.memory_space<hbm>>
        %dma_wait3A_182 = tpu.memref_squeeze %dma_wait3A_181 : memref<1x1x4096xf32, #tpu.memory_space<hbm>> -> memref<4096xf32, #tpu.memory_space<hbm>>
        %dma_wait3A_183 = arith.constant 0 : i32
        %dma_wait3A_184 = tpu.memref_slice %arg4[%sub3A_175, %add3A_26, %dma_wait3A_183] : memref<50x64x4096xf32, #tpu.memory_space<hbm>> -> memref<1x1x4096xf32, #tpu.memory_space<hbm>>
        %dma_wait3A_185 = tpu.memref_squeeze %dma_wait3A_184 : memref<1x1x4096xf32, #tpu.memory_space<hbm>> -> memref<4096xf32, #tpu.memory_space<hbm>>
        %dma_wait3A_186 = arith.constant 0 : i32
        %dma_wait3A_187 = tpu.memref_slice %arg7[%dma_wait3A_176, %dma_wait3A_186] : memref<2x4096xf32, #tpu.memory_space<vmem>> -> memref<1x4096xf32, #tpu.memory_space<vmem>>
        %dma_wait3A_188 = tpu.memref_squeeze %dma_wait3A_187 : memref<1x4096xf32, #tpu.memory_space<vmem>> -> memref<4096xf32, #tpu.memory_space<vmem>>
        tpu.wait_dma2 semaphore(%arg10 : memref<!tpu.dma_semaphore, #tpu.memory_space<semaphore_mem>>) src(%dma_wait3A_188 : memref<4096xf32, #tpu.memory_space<vmem>>) dst(%dma_wait3A_185 : memref<4096xf32, #tpu.memory_space<hbm>>)
      } else {
      }
      %eq3A = arith.constant 0 : i32
      %eq3A_105 = arith.cmpi eq, %scan3A_79, %eq3A : i32
      %convert_element_type3A_106 = arith.extui %eq3A_105 : i1 to i32
      %cond3A_107 = arith.constant 0 : i32
      %cond3A_108 = arith.cmpi ne, %convert_element_type3A_106, %cond3A_107 : i32
      scf.if %cond3A_108 {
        %sub3A_174 = arith.constant 1 : i32
        %sub3A_175 = arith.subi %add3A_26, %sub3A_174 : i32
        %dma_wait3A_176 = arith.constant 0 : i32
        %dma_wait3A_177 = arith.constant 48 : i32
        %dma_wait3A_178 = arith.constant 0 : i32
        %dma_wait3A_179 = tpu.memref_slice %arg7[%dma_wait3A_176, %dma_wait3A_178] : memref<2x4096xf32, #tpu.memory_space<vmem>> -> memref<1x4096xf32, #tpu.memory_space<vmem>>
        %dma_wait3A_180 = tpu.memref_squeeze %dma_wait3A_179 : memref<1x4096xf32, #tpu.memory_space<vmem>> -> memref<4096xf32, #tpu.memory_space<vmem>>
        %dma_wait3A_181 = arith.constant 0 : i32
        %dma_wait3A_182 = tpu.memref_slice %arg4[%dma_wait3A_177, %sub3A_175, %dma_wait3A_181] : memref<50x64x4096xf32, #tpu.memory_space<hbm>> -> memref<1x1x4096xf32, #tpu.memory_space<hbm>>
        %dma_wait3A_183 = tpu.memref_squeeze %dma_wait3A_182 : memref<1x1x4096xf32, #tpu.memory_space<hbm>> -> memref<4096xf32, #tpu.memory_space<hbm>>
        %dma_wait3A_184 = arith.constant 0 : i32
        %dma_wait3A_185 = tpu.memref_slice %arg4[%dma_wait3A_177, %sub3A_175, %dma_wait3A_184] : memref<50x64x4096xf32, #tpu.memory_space<hbm>> -> memref<1x1x4096xf32, #tpu.memory_space<hbm>>
        %dma_wait3A_186 = tpu.memref_squeeze %dma_wait3A_185 : memref<1x1x4096xf32, #tpu.memory_space<hbm>> -> memref<4096xf32, #tpu.memory_space<hbm>>
        %dma_wait3A_187 = arith.constant 0 : i32
        %dma_wait3A_188 = tpu.memref_slice %arg7[%dma_wait3A_176, %dma_wait3A_187] : memref<2x4096xf32, #tpu.memory_space<vmem>> -> memref<1x4096xf32, #tpu.memory_space<vmem>>
        %dma_wait3A_189 = tpu.memref_squeeze %dma_wait3A_188 : memref<1x4096xf32, #tpu.memory_space<vmem>> -> memref<4096xf32, #tpu.memory_space<vmem>>
        tpu.wait_dma2 semaphore(%arg10 : memref<!tpu.dma_semaphore, #tpu.memory_space<semaphore_mem>>) src(%dma_wait3A_189 : memref<4096xf32, #tpu.memory_space<vmem>>) dst(%dma_wait3A_186 : memref<4096xf32, #tpu.memory_space<hbm>>)
      } else {
      }
      %parallel_loop3A = arith.constant 0 : i32
      %parallel_loop3A_109 = arith.constant 256 : i32
      %parallel_loop3A_110 = arith.constant 1 : i32
      scf.for %parallel_loop3A_174 = %parallel_loop3A to %parallel_loop3A_109 step %parallel_loop3A_110  : i32 {
        %parallel_loop3A_175 = arith.constant 16 : i32
        %parallel_loop3A_176 = arith.muli %parallel_loop3A_174, %parallel_loop3A_175 : i32
        %parallel_loop3A_177 = arith.constant 0 : i32
        %parallel_loop3A_178 = arith.index_cast %parallel_loop3A_177 : i32 to index
        %parallel_loop3A_179 = arith.index_cast %parallel_loop3A_176 : i32 to index
        %parallel_loop3A_180 = tpu.vector_load %arg6[%parallel_loop3A_178, %parallel_loop3A_179] {strides = array<i32>} : memref<2x4096xi32, #tpu.memory_space<vmem>>, vector<16xi32>,
        %parallel_loop3A_181 = tpu.vector_load_idx %arg5[%parallel_loop3A_180] : memref<100000xf32, #tpu.memory_space<vmem>>[vector<16xi32>], vector<16xf32>,
        %parallel_loop3A_182 = arith.constant 0 : i32
        %parallel_loop3A_183 = arith.index_cast %parallel_loop3A_182 : i32 to index
        %parallel_loop3A_184 = arith.index_cast %parallel_loop3A_176 : i32 to index
        %parallel_loop3A_185 = tpu.vector_load %arg7[%parallel_loop3A_183, %parallel_loop3A_184] {strides = array<i32>} : memref<2x4096xf32, #tpu.memory_space<vmem>>, vector<16xf32>,
        tpu.vector_store %arg7[%parallel_loop3A_183, %parallel_loop3A_184], %parallel_loop3A_181 {strides = array<i32>} : memref<2x4096xf32, #tpu.memory_space<vmem>>, vector<16xf32>,
      } {sc.loop_unroll_factor = 8 : i64, sc.parallel_access}
      %dma_start3A_111 = arith.constant 0 : i32
      %dma_start3A_112 = arith.constant 0 : i32
      %dma_start3A_113 = tpu.memref_slice %arg7[%dma_start3A_111, %dma_start3A_112] : memref<2x4096xf32, #tpu.memory_space<vmem>> -> memref<1x4096xf32, #tpu.memory_space<vmem>>
      %dma_start3A_114 = tpu.memref_squeeze %dma_start3A_113 : memref<1x4096xf32, #tpu.memory_space<vmem>> -> memref<4096xf32, #tpu.memory_space<vmem>>
      %dma_start3A_115 = arith.constant 0 : i32
      %dma_start3A_116 = tpu.memref_slice %arg4[%add3A_83, %add3A_26, %dma_start3A_115] : memref<50x64x4096xf32, #tpu.memory_space<hbm>> -> memref<1x1x4096xf32, #tpu.memory_space<hbm>>
      %dma_start3A_117 = tpu.memref_squeeze %dma_start3A_116 : memref<1x1x4096xf32, #tpu.memory_space<hbm>> -> memref<4096xf32, #tpu.memory_space<hbm>>
      %dma_start3A_118 = arith.constant 0 : i32
      %dma_start3A_119 = tpu.memref_slice %arg4[%add3A_83, %add3A_26, %dma_start3A_118] : memref<50x64x4096xf32, #tpu.memory_space<hbm>> -> memref<1x1x4096xf32, #tpu.memory_space<hbm>>
      %dma_start3A_120 = tpu.memref_squeeze %dma_start3A_119 : memref<1x1x4096xf32, #tpu.memory_space<hbm>> -> memref<4096xf32, #tpu.memory_space<hbm>>
      %dma_start3A_121 = arith.constant 0 : i32
      %dma_start3A_122 = tpu.memref_slice %arg7[%dma_start3A_111, %dma_start3A_121] : memref<2x4096xf32, #tpu.memory_space<vmem>> -> memref<1x4096xf32, #tpu.memory_space<vmem>>
      %dma_start3A_123 = tpu.memref_squeeze %dma_start3A_122 : memref<1x4096xf32, #tpu.memory_space<vmem>> -> memref<4096xf32, #tpu.memory_space<vmem>>
      tpu.enqueue_dma source(%dma_start3A_123 : memref<4096xf32, #tpu.memory_space<vmem>>) target(%dma_start3A_120 : memref<4096xf32, #tpu.memory_space<hbm>>) target_semaphore(%arg10 : memref<!tpu.dma_semaphore, #tpu.memory_space<semaphore_mem>>)
      %mul3A_124 = arith.constant 2 : i32
      %mul3A_125 = arith.muli %scan3A_79, %mul3A_124 : i32
      %add3A_126 = arith.constant 1 : i32
      %add3A_127 = arith.addi %mul3A_125, %add3A_126 : i32
      %add3A_128 = arith.constant 1 : i32
      %add3A_129 = arith.addi %add3A_127, %add3A_128 : i32
      %le3A_130 = arith.constant 49 : i32
      %le3A_131 = arith.cmpi sle, %add3A_129, %le3A_130 : i32
      %convert_element_type3A_132 = arith.extui %le3A_131 : i1 to i32
      %cond3A_133 = arith.constant 0 : i32
      %cond3A_134 = arith.cmpi ne, %convert_element_type3A_132, %cond3A_133 : i32
      scf.if %cond3A_134 {
        %add3A_174 = arith.constant 1 : i32
        %add3A_175 = arith.addi %add3A_127, %add3A_174 : i32
        %dma_start3A_176 = arith.constant 0 : i32
        %dma_start3A_177 = arith.constant 0 : i32
        %dma_start3A_178 = tpu.memref_slice %arg6[%dma_start3A_176, %dma_start3A_177] : memref<2x4096xi32, #tpu.memory_space<vmem>> -> memref<1x4096xi32, #tpu.memory_space<vmem>>
        %dma_start3A_179 = tpu.memref_squeeze %dma_start3A_178 : memref<1x4096xi32, #tpu.memory_space<vmem>> -> memref<4096xi32, #tpu.memory_space<vmem>>
        %dma_start3A_180 = arith.constant 0 : i32
        %dma_start3A_181 = tpu.memref_slice %arg2[%add3A_175, %dma_start3A_180] : memref<50x4096xi32, #tpu.memory_space<hbm>> -> memref<1x4096xi32, #tpu.memory_space<hbm>>
        %dma_start3A_182 = tpu.memref_squeeze %dma_start3A_181 : memref<1x4096xi32, #tpu.memory_space<hbm>> -> memref<4096xi32, #tpu.memory_space<hbm>>
        %dma_start3A_183 = arith.constant 0 : i32
        %dma_start3A_184 = tpu.memref_slice %arg6[%dma_start3A_176, %dma_start3A_183] : memref<2x4096xi32, #tpu.memory_space<vmem>> -> memref<1x4096xi32, #tpu.memory_space<vmem>>
        %dma_start3A_185 = tpu.memref_squeeze %dma_start3A_184 : memref<1x4096xi32, #tpu.memory_space<vmem>> -> memref<4096xi32, #tpu.memory_space<vmem>>
        %dma_start3A_186 = arith.constant 0 : i32
        %dma_start3A_187 = tpu.memref_slice %arg2[%add3A_175, %dma_start3A_186] : memref<50x4096xi32, #tpu.memory_space<hbm>> -> memref<1x4096xi32, #tpu.memory_space<hbm>>
        %dma_start3A_188 = tpu.memref_squeeze %dma_start3A_187 : memref<1x4096xi32, #tpu.memory_space<hbm>> -> memref<4096xi32, #tpu.memory_space<hbm>>
        tpu.enqueue_dma source(%dma_start3A_188 : memref<4096xi32, #tpu.memory_space<hbm>>) target(%dma_start3A_185 : memref<4096xi32, #tpu.memory_space<vmem>>) target_semaphore(%arg8 : memref<!tpu.dma_semaphore, #tpu.memory_space<semaphore_mem>>)
      } else {
      }
      %dma_wait3A_135 = arith.constant 1 : i32
      %dma_wait3A_136 = arith.constant 0 : i32
      %dma_wait3A_137 = tpu.memref_slice %arg6[%dma_wait3A_135, %dma_wait3A_136] : memref<2x4096xi32, #tpu.memory_space<vmem>> -> memref<1x4096xi32, #tpu.memory_space<vmem>>
      %dma_wait3A_138 = tpu.memref_squeeze %dma_wait3A_137 : memref<1x4096xi32, #tpu.memory_space<vmem>> -> memref<4096xi32, #tpu.memory_space<vmem>>
      %dma_wait3A_139 = arith.constant 0 : i32
      %dma_wait3A_140 = tpu.memref_slice %arg2[%add3A_127, %dma_wait3A_139] : memref<50x4096xi32, #tpu.memory_space<hbm>> -> memref<1x4096xi32, #tpu.memory_space<hbm>>
      %dma_wait3A_141 = tpu.memref_squeeze %dma_wait3A_140 : memref<1x4096xi32, #tpu.memory_space<hbm>> -> memref<4096xi32, #tpu.memory_space<hbm>>
      %dma_wait3A_142 = arith.constant 0 : i32
      %dma_wait3A_143 = tpu.memref_slice %arg6[%dma_wait3A_135, %dma_wait3A_142] : memref<2x4096xi32, #tpu.memory_space<vmem>> -> memref<1x4096xi32, #tpu.memory_space<vmem>>
      %dma_wait3A_144 = tpu.memref_squeeze %dma_wait3A_143 : memref<1x4096xi32, #tpu.memory_space<vmem>> -> memref<4096xi32, #tpu.memory_space<vmem>>
      %dma_wait3A_145 = arith.constant 0 : i32
      %dma_wait3A_146 = tpu.memref_slice %arg2[%add3A_127, %dma_wait3A_145] : memref<50x4096xi32, #tpu.memory_space<hbm>> -> memref<1x4096xi32, #tpu.memory_space<hbm>>
      %dma_wait3A_147 = tpu.memref_squeeze %dma_wait3A_146 : memref<1x4096xi32, #tpu.memory_space<hbm>> -> memref<4096xi32, #tpu.memory_space<hbm>>
      tpu.wait_dma2 semaphore(%arg9 : memref<!tpu.dma_semaphore, #tpu.memory_space<semaphore_mem>>) src(%dma_wait3A_147 : memref<4096xi32, #tpu.memory_space<hbm>>) dst(%dma_wait3A_144 : memref<4096xi32, #tpu.memory_space<vmem>>)
      %ge3A_148 = arith.constant 1 : i32
      %ge3A_149 = arith.cmpi sge, %scan3A_79, %ge3A_148 : i32
      %convert_element_type3A_150 = arith.extui %ge3A_149 : i1 to i32
      %cond3A_151 = arith.constant 0 : i32
      %cond3A_152 = arith.cmpi ne, %convert_element_type3A_150, %cond3A_151 : i32
      scf.if %cond3A_152 {
        %sub3A_174 = arith.constant 2 : i32
        %sub3A_175 = arith.subi %add3A_127, %sub3A_174 : i32
        %dma_wait3A_176 = arith.constant 1 : i32
        %dma_wait3A_177 = arith.constant 0 : i32
        %dma_wait3A_178 = tpu.memref_slice %arg7[%dma_wait3A_176, %dma_wait3A_177] : memref<2x4096xf32, #tpu.memory_space<vmem>> -> memref<1x4096xf32, #tpu.memory_space<vmem>>
        %dma_wait3A_179 = tpu.memref_squeeze %dma_wait3A_178 : memref<1x4096xf32, #tpu.memory_space<vmem>> -> memref<4096xf32, #tpu.memory_space<vmem>>
        %dma_wait3A_180 = arith.constant 0 : i32
        %dma_wait3A_181 = tpu.memref_slice %arg4[%sub3A_175, %add3A_26, %dma_wait3A_180] : memref<50x64x4096xf32, #tpu.memory_space<hbm>> -> memref<1x1x4096xf32, #tpu.memory_space<hbm>>
        %dma_wait3A_182 = tpu.memref_squeeze %dma_wait3A_181 : memref<1x1x4096xf32, #tpu.memory_space<hbm>> -> memref<4096xf32, #tpu.memory_space<hbm>>
        %dma_wait3A_183 = arith.constant 0 : i32
        %dma_wait3A_184 = tpu.memref_slice %arg4[%sub3A_175, %add3A_26, %dma_wait3A_183] : memref<50x64x4096xf32, #tpu.memory_space<hbm>> -> memref<1x1x4096xf32, #tpu.memory_space<hbm>>
        %dma_wait3A_185 = tpu.memref_squeeze %dma_wait3A_184 : memref<1x1x4096xf32, #tpu.memory_space<hbm>> -> memref<4096xf32, #tpu.memory_space<hbm>>
        %dma_wait3A_186 = arith.constant 0 : i32
        %dma_wait3A_187 = tpu.memref_slice %arg7[%dma_wait3A_176, %dma_wait3A_186] : memref<2x4096xf32, #tpu.memory_space<vmem>> -> memref<1x4096xf32, #tpu.memory_space<vmem>>
        %dma_wait3A_188 = tpu.memref_squeeze %dma_wait3A_187 : memref<1x4096xf32, #tpu.memory_space<vmem>> -> memref<4096xf32, #tpu.memory_space<vmem>>
        tpu.wait_dma2 semaphore(%arg11 : memref<!tpu.dma_semaphore, #tpu.memory_space<semaphore_mem>>) src(%dma_wait3A_188 : memref<4096xf32, #tpu.memory_space<vmem>>) dst(%dma_wait3A_185 : memref<4096xf32, #tpu.memory_space<hbm>>)
      } else {
      }
      %eq3A_153 = arith.constant 0 : i32
      %eq3A_154 = arith.cmpi eq, %scan3A_79, %eq3A_153 : i32
      %convert_element_type3A_155 = arith.extui %eq3A_154 : i1 to i32
      %cond3A_156 = arith.constant 0 : i32
      %cond3A_157 = arith.cmpi ne, %convert_element_type3A_155, %cond3A_156 : i32
      scf.if %cond3A_157 {
        %sub3A_174 = arith.constant 1 : i32
        %sub3A_175 = arith.subi %add3A_26, %sub3A_174 : i32
        %dma_wait3A_176 = arith.constant 1 : i32
        %dma_wait3A_177 = arith.constant 49 : i32
        %dma_wait3A_178 = arith.constant 0 : i32
        %dma_wait3A_179 = tpu.memref_slice %arg7[%dma_wait3A_176, %dma_wait3A_178] : memref<2x4096xf32, #tpu.memory_space<vmem>> -> memref<1x4096xf32, #tpu.memory_space<vmem>>
        %dma_wait3A_180 = tpu.memref_squeeze %dma_wait3A_179 : memref<1x4096xf32, #tpu.memory_space<vmem>> -> memref<4096xf32, #tpu.memory_space<vmem>>
        %dma_wait3A_181 = arith.constant 0 : i32
        %dma_wait3A_182 = tpu.memref_slice %arg4[%dma_wait3A_177, %sub3A_175, %dma_wait3A_181] : memref<50x64x4096xf32, #tpu.memory_space<hbm>> -> memref<1x1x4096xf32, #tpu.memory_space<hbm>>
        %dma_wait3A_183 = tpu.memref_squeeze %dma_wait3A_182 : memref<1x1x4096xf32, #tpu.memory_space<hbm>> -> memref<4096xf32, #tpu.memory_space<hbm>>
        %dma_wait3A_184 = arith.constant 0 : i32
        %dma_wait3A_185 = tpu.memref_slice %arg4[%dma_wait3A_177, %sub3A_175, %dma_wait3A_184] : memref<50x64x4096xf32, #tpu.memory_space<hbm>> -> memref<1x1x4096xf32, #tpu.memory_space<hbm>>
        %dma_wait3A_186 = tpu.memref_squeeze %dma_wait3A_185 : memref<1x1x4096xf32, #tpu.memory_space<hbm>> -> memref<4096xf32, #tpu.memory_space<hbm>>
        %dma_wait3A_187 = arith.constant 0 : i32
        %dma_wait3A_188 = tpu.memref_slice %arg7[%dma_wait3A_176, %dma_wait3A_187] : memref<2x4096xf32, #tpu.memory_space<vmem>> -> memref<1x4096xf32, #tpu.memory_space<vmem>>
        %dma_wait3A_189 = tpu.memref_squeeze %dma_wait3A_188 : memref<1x4096xf32, #tpu.memory_space<vmem>> -> memref<4096xf32, #tpu.memory_space<vmem>>
        tpu.wait_dma2 semaphore(%arg11 : memref<!tpu.dma_semaphore, #tpu.memory_space<semaphore_mem>>) src(%dma_wait3A_189 : memref<4096xf32, #tpu.memory_space<vmem>>) dst(%dma_wait3A_186 : memref<4096xf32, #tpu.memory_space<hbm>>)
      } else {
      }
      %parallel_loop3A_158 = arith.constant 0 : i32
      %parallel_loop3A_159 = arith.constant 256 : i32
      %parallel_loop3A_160 = arith.constant 1 : i32
      scf.for %parallel_loop3A_174 = %parallel_loop3A_158 to %parallel_loop3A_159 step %parallel_loop3A_160  : i32 {
        %parallel_loop3A_175 = arith.constant 16 : i32
        %parallel_loop3A_176 = arith.muli %parallel_loop3A_174, %parallel_loop3A_175 : i32
        %parallel_loop3A_177 = arith.constant 1 : i32
        %parallel_loop3A_178 = arith.index_cast %parallel_loop3A_177 : i32 to index
        %parallel_loop3A_179 = arith.index_cast %parallel_loop3A_176 : i32 to index
        %parallel_loop3A_180 = tpu.vector_load %arg6[%parallel_loop3A_178, %parallel_loop3A_179] {strides = array<i32>} : memref<2x4096xi32, #tpu.memory_space<vmem>>, vector<16xi32>,
        %parallel_loop3A_181 = tpu.vector_load_idx %arg5[%parallel_loop3A_180] : memref<100000xf32, #tpu.memory_space<vmem>>[vector<16xi32>], vector<16xf32>,
        %parallel_loop3A_182 = arith.constant 1 : i32
        %parallel_loop3A_183 = arith.index_cast %parallel_loop3A_182 : i32 to index
        %parallel_loop3A_184 = arith.index_cast %parallel_loop3A_176 : i32 to index
        %parallel_loop3A_185 = tpu.vector_load %arg7[%parallel_loop3A_183, %parallel_loop3A_184] {strides = array<i32>} : memref<2x4096xf32, #tpu.memory_space<vmem>>, vector<16xf32>,
        tpu.vector_store %arg7[%parallel_loop3A_183, %parallel_loop3A_184], %parallel_loop3A_181 {strides = array<i32>} : memref<2x4096xf32, #tpu.memory_space<vmem>>, vector<16xf32>,
      } {sc.loop_unroll_factor = 8 : i64, sc.parallel_access}
      %dma_start3A_161 = arith.constant 1 : i32
      %dma_start3A_162 = arith.constant 0 : i32
      %dma_start3A_163 = tpu.memref_slice %arg7[%dma_start3A_161, %dma_start3A_162] : memref<2x4096xf32, #tpu.memory_space<vmem>> -> memref<1x4096xf32, #tpu.memory_space<vmem>>
      %dma_start3A_164 = tpu.memref_squeeze %dma_start3A_163 : memref<1x4096xf32, #tpu.memory_space<vmem>> -> memref<4096xf32, #tpu.memory_space<vmem>>
      %dma_start3A_165 = arith.constant 0 : i32
      %dma_start3A_166 = tpu.memref_slice %arg4[%add3A_127, %add3A_26, %dma_start3A_165] : memref<50x64x4096xf32, #tpu.memory_space<hbm>> -> memref<1x1x4096xf32, #tpu.memory_space<hbm>>
      %dma_start3A_167 = tpu.memref_squeeze %dma_start3A_166 : memref<1x1x4096xf32, #tpu.memory_space<hbm>> -> memref<4096xf32, #tpu.memory_space<hbm>>
      %dma_start3A_168 = arith.constant 0 : i32
      %dma_start3A_169 = tpu.memref_slice %arg4[%add3A_127, %add3A_26, %dma_start3A_168] : memref<50x64x4096xf32, #tpu.memory_space<hbm>> -> memref<1x1x4096xf32, #tpu.memory_space<hbm>>
      %dma_start3A_170 = tpu.memref_squeeze %dma_start3A_169 : memref<1x1x4096xf32, #tpu.memory_space<hbm>> -> memref<4096xf32, #tpu.memory_space<hbm>>
      %dma_start3A_171 = arith.constant 0 : i32
      %dma_start3A_172 = tpu.memref_slice %arg7[%dma_start3A_161, %dma_start3A_171] : memref<2x4096xf32, #tpu.memory_space<vmem>> -> memref<1x4096xf32, #tpu.memory_space<vmem>>
      %dma_start3A_173 = tpu.memref_squeeze %dma_start3A_172 : memref<1x4096xf32, #tpu.memory_space<vmem>> -> memref<4096xf32, #tpu.memory_space<vmem>>
      tpu.enqueue_dma source(%dma_start3A_173 : memref<4096xf32, #tpu.memory_space<vmem>>) target(%dma_start3A_170 : memref<4096xf32, #tpu.memory_space<hbm>>) target_semaphore(%arg11 : memref<!tpu.dma_semaphore, #tpu.memory_space<semaphore_mem>>)
    }
    %scan3A_46 = arith.constant 25 : i32
    %mul3A_47 = arith.constant 2 : i32
    %mul3A_48 = arith.muli %add3A, %mul3A_47 : i32
    %add3A_49 = arith.constant 2 : i32
    %add3A_50 = arith.addi %mul3A_48, %add3A_49 : i32
    %sub3A = arith.constant 1 : i32
    %sub3A_51 = arith.subi %add3A_50, %sub3A : i32
    %dma_wait3A = arith.constant 0 : i32
    %dma_wait3A_52 = arith.constant 48 : i32
    %dma_wait3A_53 = arith.constant 0 : i32
    %dma_wait3A_54 = tpu.memref_slice %arg7[%dma_wait3A, %dma_wait3A_53] : memref<2x4096xf32, #tpu.memory_space<vmem>> -> memref<1x4096xf32, #tpu.memory_space<vmem>>
    %dma_wait3A_55 = tpu.memref_squeeze %dma_wait3A_54 : memref<1x4096xf32, #tpu.memory_space<vmem>> -> memref<4096xf32, #tpu.memory_space<vmem>>
    %dma_wait3A_56 = arith.constant 0 : i32
    %dma_wait3A_57 = tpu.memref_slice %arg4[%dma_wait3A_52, %sub3A_51, %dma_wait3A_56] : memref<50x64x4096xf32, #tpu.memory_space<hbm>> -> memref<1x1x4096xf32, #tpu.memory_space<hbm>>
    %dma_wait3A_58 = tpu.memref_squeeze %dma_wait3A_57 : memref<1x1x4096xf32, #tpu.memory_space<hbm>> -> memref<4096xf32, #tpu.memory_space<hbm>>
    %dma_wait3A_59 = arith.constant 0 : i32
    %dma_wait3A_60 = tpu.memref_slice %arg4[%dma_wait3A_52, %sub3A_51, %dma_wait3A_59] : memref<50x64x4096xf32, #tpu.memory_space<hbm>> -> memref<1x1x4096xf32, #tpu.memory_space<hbm>>
    %dma_wait3A_61 = tpu.memref_squeeze %dma_wait3A_60 : memref<1x1x4096xf32, #tpu.memory_space<hbm>> -> memref<4096xf32, #tpu.memory_space<hbm>>
    %dma_wait3A_62 = arith.constant 0 : i32
    %dma_wait3A_63 = tpu.memref_slice %arg7[%dma_wait3A, %dma_wait3A_62] : memref<2x4096xf32, #tpu.memory_space<vmem>> -> memref<1x4096xf32, #tpu.memory_space<vmem>>
    %dma_wait3A_64 = tpu.memref_squeeze %dma_wait3A_63 : memref<1x4096xf32, #tpu.memory_space<vmem>> -> memref<4096xf32, #tpu.memory_space<vmem>>
    tpu.wait_dma2 semaphore(%arg10 : memref<!tpu.dma_semaphore, #tpu.memory_space<semaphore_mem>>) src(%dma_wait3A_64 : memref<4096xf32, #tpu.memory_space<vmem>>) dst(%dma_wait3A_61 : memref<4096xf32, #tpu.memory_space<hbm>>)
    %dma_wait3A_65 = arith.constant 1 : i32
    %dma_wait3A_66 = arith.constant 49 : i32
    %dma_wait3A_67 = arith.constant 0 : i32
    %dma_wait3A_68 = tpu.memref_slice %arg7[%dma_wait3A_65, %dma_wait3A_67] : memref<2x4096xf32, #tpu.memory_space<vmem>> -> memref<1x4096xf32, #tpu.memory_space<vmem>>
    %dma_wait3A_69 = tpu.memref_squeeze %dma_wait3A_68 : memref<1x4096xf32, #tpu.memory_space<vmem>> -> memref<4096xf32, #tpu.memory_space<vmem>>
    %dma_wait3A_70 = arith.constant 0 : i32
    %dma_wait3A_71 = tpu.memref_slice %arg4[%dma_wait3A_66, %sub3A_51, %dma_wait3A_70] : memref<50x64x4096xf32, #tpu.memory_space<hbm>> -> memref<1x1x4096xf32, #tpu.memory_space<hbm>>
    %dma_wait3A_72 = tpu.memref_squeeze %dma_wait3A_71 : memref<1x1x4096xf32, #tpu.memory_space<hbm>> -> memref<4096xf32, #tpu.memory_space<hbm>>
    %dma_wait3A_73 = arith.constant 0 : i32
    %dma_wait3A_74 = tpu.memref_slice %arg4[%dma_wait3A_66, %sub3A_51, %dma_wait3A_73] : memref<50x64x4096xf32, #tpu.memory_space<hbm>> -> memref<1x1x4096xf32, #tpu.memory_space<hbm>>
    %dma_wait3A_75 = tpu.memref_squeeze %dma_wait3A_74 : memref<1x1x4096xf32, #tpu.memory_space<hbm>> -> memref<4096xf32, #tpu.memory_space<hbm>>
    %dma_wait3A_76 = arith.constant 0 : i32
    %dma_wait3A_77 = tpu.memref_slice %arg7[%dma_wait3A_65, %dma_wait3A_76] : memref<2x4096xf32, #tpu.memory_space<vmem>> -> memref<1x4096xf32, #tpu.memory_space<vmem>>
    %dma_wait3A_78 = tpu.memref_squeeze %dma_wait3A_77 : memref<1x4096xf32, #tpu.memory_space<vmem>> -> memref<4096xf32, #tpu.memory_space<vmem>>
    tpu.wait_dma2 semaphore(%arg11 : memref<!tpu.dma_semaphore, #tpu.memory_space<semaphore_mem>>) src(%dma_wait3A_78 : memref<4096xf32, #tpu.memory_space<vmem>>) dst(%dma_wait3A_75 : memref<4096xf32, #tpu.memory_space<hbm>>)
    return
  }
}

</mosaic_0001>

<sc_bundles>
// kernel: kernel.3.cloned.1.call-start
scs
__scs_entry_jumppad:
0x0: {  	(pc) =	sbr.rel $0x88, $3  }
0x1: {  	(tag) =	ssettag $0x0;
	lr =	simm.s32 $0x1  }
0x2: {  	[smem:$0x3F9F] =	sst lr;
	_ =	strace $0xD0000000  }
0x3: {  	_ = 	snop  }
0x4: {  	_ = 	snop  }
0x5: {  	_ = 	snop  }
0x6: {  	_ = 	snop  }
0x7: {  	_ = 	snop  }
__scs_overlays_trampoline_lowered:
0x8: {  	[smem:$0x3FAE] =	sst s0  }
0x9: {  	[smem:$0x3FAF] =	sst s1  }
0xa: {  	[smem:$0x3FB0] =	sst s2  }
0xb: {  	[smem:$0x3FB1] =	sst s3  }
0xc: {  	[smem:$0x3FB2] =	sst s4  }
0xd: {  	[smem:$0x3FB3] =	sst s5  }
0xe: {  	[smem:$0x3FB4] =	sst s6  }
0xf: {  	[smem:$0x3FB5] =	sst s7  }
0x10: {  	[smem:$0x3FB6] =	sst s8  }
0x11: {  	[smem:$0x3FB7] =	sst s9;
	s0 =	simm.s32 @!p0 $0x0  }
0x12: {  	s1 =	sld [smem:$0x3F9D];
	s0 =	simm.s32 @p0 $0x1  }
0x13: {  	[smem:$0x3FB8] =	sst s0;
	s0 =	simm.s32 @!p1 $0x0  }
0x14: {  	s2 =	sld [smem:$0x3F9C];
	s0 =	simm.s32 @p1 $0x1  }
0x15: {  	[smem:$0x3FB9] =	sst s0;
	s0 =	simm.s32 @!p2 $0x0  }
0x16: {  	s3 =	sld [smem:$0x3FDB];
	s0 =	simm.s32 @p2 $0x1  }
0x17: {  	s4 =	simm.s32 $0x1BF5;
	[smem:$0x3FBB] =	sst s0  }
0x18: {  	s0 =	sld [smem:$0x3F9E];
	_ =	swait.ge [sflag:s4], $0x0  }
0x19: {  	s7 =	sld [smem:$0x3F9F]  }
0x1a: {  	s8 =	sadd.s32 $0xFFFFE003, lr  }
0x1b: {  	s9 =	sadd.s32 $0xFFFFFEF7, lr;
	s5 =	simm.s32 $0xFFFFFFFF;
	p2 =	slt.u32 s8, $0xFFFFF086  }
0x1c: {  	p1 =	slt.u32 s9, $0xF7A;
	s5 =	simm.s32 @!p2 $0x0  }
0x1d: {  	s5 =	simm.s32 @p1 $0x1;
	p0 =	seq.s32 s7, s2  }
0x1e: {  	s7 =	smul.u32 @!p0 $0xF7A, s2;
	p2 =	seq.s32 @!p0 s5, $0x0  }
0x1f: {  	s9 =	smul.u32 $0xF7A, s1;
	s8 =	simm.s32 @!p0 $0x1BF5;
	p2 =	por !p2, p0  }
0x20: {  	[sflag:s8] =	ssyncset.s32 @!p0 $0xFFFFF086;
	s6 =	sadd.s32 @!p0 s3, s7;
	s7 =	simm.s32 @!p0 $0x108  }
0x21: {  	s3 =	sadd.s32 s3, s9;
	s6 =	sadd.s32 @!p0 $0x88, s6;
	s7 =	simm.s32 @p2 $0x1082  }
0x22: {  	[simem:s7], [sflag:s8] =	dma.local @!p0 [hbm:s6], $0xF7A  }
0x23: {  	s9 =	sor.u32 $0xD0000000, s2;
	s6 =	simm.s32 $0x108;
	_ =	swait.ge @!p0 [sflag:s8], $0x0  }
0x24: {  	s3 =	sadd.s32 $0x88, s3;
	s6 =	simm.s32 @!p1 $0x1082;
	[sflag:s4] =	ssyncset.s32 $0xFFFFF086  }
0x25: {  	[simem:s6], [sflag:s4] =	dma.local [hbm:s3], $0xF7A  }
0x26: {  	[smem:$0x3F9F] =	sst s1;
	(tag) =	ssettag s2;
	_ =	strace s9  }
0x27: {  	s1 =	sld [smem:$0x3FAF]  }
0x28: {  	s2 =	sld [smem:$0x3FB0]  }
0x29: {  	s4 =	sld [smem:$0x3FB2]  }
0x2a: {  	p0 =	seq.s32 s5, $0x0;
	s5 =	sld [smem:$0x3FB3]  }
0x2b: {  	s6 =	sld [smem:$0x3FB4]  }
0x2c: {  	s7 =	sld [smem:$0x3FB5]  }
0x2d: {  	s3 =	simm.s32 $0x108;
	s8 =	sld [smem:$0x3FB6]  }
0x2e: {  	s3 =	simm.s32 @!p0 $0x1082;
	s9 =	sld [smem:$0x3FB7]  }
0x2f: {  	lr =	sadd.s32 s0, s3;
	s0 =	sld [smem:$0x3FAE]  }
0x30: {  	s3 =	sld [smem:$0x3FB1]  }
0x31: {  	[smem:$0x3FBA] =	sst s10  }
0x32: {  	s10 =	sld [smem:$0x3FB8];
	_ =	sdelay $0x3  }
0x33: {  	p0 =	seq.s32 s10, $0x1;
	s10 =	sld [smem:$0x3FBA];
	_ =	sdelay $0x3  }
0x34: {  	[smem:$0x3FBA] =	sst s10  }
0x35: {  	s10 =	sld [smem:$0x3FB9];
	_ =	sdelay $0x3  }
0x36: {  	p1 =	seq.s32 s10, $0x1;
	s10 =	sld [smem:$0x3FBA];
	_ =	sdelay $0x3  }
0x37: {  	[smem:$0x3FBA] =	sst s10  }
0x38: {  	s10 =	sld [smem:$0x3FBB]  }
0x39: {  	_ = 	snop;
	(pc) =	sbr.ind lr, $3  }
0x3a: {  	_ = 	snop  }
0x3b: {  	_ = 	snop  }
0x3c: {  	p2 =	seq.s32 s10, $0x1;
	s10 =	sld [smem:$0x3FBA]  }
0x3d: {  	_ =	shalt  }
0x3e: {  	_ =	shalt  }
0x3f: {  	_ =	shalt  }
0x40: {  	_ =	shalt  }
0x41: {  	_ =	shalt  }
0x42: {  	_ =	shalt  }
0x43: {  	_ =	shalt  }
0x44: {  	_ =	shalt  }
0x45: {  	_ =	shalt  }
0x46: {  	_ =	shalt  }
0x47: {  	_ =	shalt  }
0x48: {  	_ =	shalt  }
0x49: {  	_ =	shalt  }
0x4a: {  	_ =	shalt  }
0x4b: {  	_ =	shalt  }
0x4c: {  	_ =	shalt  }
0x4d: {  	_ =	shalt  }
0x4e: {  	_ =	shalt  }
0x4f: {  	_ =	shalt  }
0x50: {  	_ =	shalt  }
0x51: {  	_ =	shalt  }
0x52: {  	_ =	shalt  }
0x53: {  	_ =	shalt  }
0x54: {  	_ =	shalt  }
0x55: {  	_ =	shalt  }
0x56: {  	_ =	shalt  }
0x57: {  	_ =	shalt  }
0x58: {  	_ =	shalt  }
0x59: {  	_ =	shalt  }
0x5a: {  	_ =	shalt  }
0x5b: {  	_ =	shalt  }
0x5c: {  	_ =	shalt  }
0x5d: {  	_ =	shalt  }
0x5e: {  	_ =	shalt  }
0x5f: {  	_ =	shalt  }
0x60: {  	_ =	shalt  }
0x61: {  	_ =	shalt  }
0x62: {  	_ =	shalt  }
0x63: {  	_ =	shalt  }
0x64: {  	_ =	shalt  }
0x65: {  	_ =	shalt  }
0x66: {  	_ =	shalt  }
0x67: {  	_ =	shalt  }
0x68: {  	_ =	shalt  }
0x69: {  	_ =	shalt  }
0x6a: {  	_ =	shalt  }
0x6b: {  	_ =	shalt  }
0x6c: {  	_ =	shalt  }
0x6d: {  	_ =	shalt  }
0x6e: {  	_ =	shalt  }
0x6f: {  	_ =	shalt  }
0x70: {  	_ =	shalt  }
0x71: {  	_ =	shalt  }
0x72: {  	_ =	shalt  }
0x73: {  	_ =	shalt  }
0x74: {  	_ =	shalt  }
0x75: {  	_ =	shalt  }
0x76: {  	_ =	shalt  }
0x77: {  	_ =	shalt  }
0x78: {  	_ =	shalt  }
0x79: {  	_ =	shalt  }
0x7a: {  	_ =	shalt  }
0x7b: {  	_ =	shalt  }
0x7c: {  	_ =	shalt  }
0x7d: {  	_ =	shalt  }
0x7e: {  	_ =	shalt  }
0x7f: {  	_ =	shalt  }
0x80: {  	_ =	shalt  }
0x81: {  	_ =	shalt  }
0x82: {  	_ =	shalt  }
0x83: {  	_ =	shalt  }
0x84: {  	_ =	shalt  }
0x85: {  	_ =	shalt  }
0x86: {  	_ =	shalt  }
0x87: {  	_ =	shalt  }
.Lfunc_end0:
.L_simem_size_0:
called_computation_lowered:
.L_overlay_start_0:
0x88: {  	s2 =	sld [smem:$0x3FD9]  }
0x89: {  	s3 =	sld [smem:$0x3FFE];
	_ =	sdelay $0x1  }
0x8a: {  	s1 =	srdreg.scid  }
0x8b: {  	s0 =	sand.u32 $0x1, s1  }
0x8c: {  	s18 =	sshll.u32 s0, $0xA;
	s2 =	sadd.s32 s3, s2  }
0x8d: {  	s2 =	sadd.s32 s2, s18  }
0x8e: {  	[smem:$0x3FC6] =	sst s2  }
0x8f: {  	_ = 	snop  }
0x90: {  	s2 =	sld [smem:$0x3FC9]  }
0x91: {  	s19 =	sld [smem:$0x3FC8]  }
0x92: {  	s4 =	sld [smem:$0x3FD0];
	(tm) =	ssettm $0x1  }
0x93: {  	s5 =	sld [smem:$0x3FFB];
	_ =	sdelay $0x3  }
0x94: {  	_ =	strace s5  }
0x95: {  	s5 =	sld [smem:$0x3FFC];
	_ =	sdelay $0x3  }
0x96: {  	_ =	strace s5  }
0x97: {  	s5 =	sld [smem:$0x3FFD];
	_ =	sdelay $0x3  }
0x98: {  	_ =	strace s5  }
0x99: {  	_ =	strace $0x8FFFFFFF  }
0x9a: {  	s20 =	sld [smem:$0x3FDB];
	_ =	sdelay $0x1  }
0x9b: {  	s6 =	simm.s32 $_scs_section_size  }
0x9c: {  	s7 =	simm.s32 $_size__tile_overlayer_lowered;
	s8 =	simm.s32 $_tile_overlayer_lowered  }
0x9d: {  	s23 =	simm.s32 $0x1BFF;
	s22 =	sshll.u32 s8, $0x1;
	s5 =	sadd.s32 s6, s20  }
0x9e: {  	s9 =	simm.s32 $0x0;
	s21 =	sshll.u32 s7, $0x1;
	s7 =	sadd.s32 s22, s5  }
0x9f: {  	[timem:s9], [sflag:s23] =	dma.local [hbm:s7], s21  }
0xa0: {  	_ =	swait.ge [sflag:s23], s21  }
0xa1: {  	s6 =	ssub.s32 $0x0, s21;
	[sflag:s23] =	ssyncset.done $0x0  }
0xa2: {  	[sflag:s23] =	ssyncadd.s32 s6;
	_ =	sdelay $0x1  }
0xa3: {  	s24 =	simm.s32 $0x1B8B  }
0xa4: {  	_ =	swait.ge [sflag:s24], $0x1  }
0xa5: {  	[sflag:s24] =	ssyncset.done $0x0  }
0xa6: {  	s25 =	simm.s32 $0x1B8E;
	[sflag:s24] =	ssyncadd.s32 $0xFFFFFFFF  }
0xa7: {  	s26 =	simm.s32 $execute0_lowered;
	[smem:$0x3FD2] =	sst s25  }
0xa8: {  	s6 =	sshll.u32 s26, $0x1;
	_ =	strace $0x80000046;
	[dreg:$0x1] =	wrdreg $0xFFFFFFFF  }
0xa9: {  	s28 =	simm.s32 $_size_execute0_lowered;
	s5 =	sadd.s32 s5, s6;
	[dreg:$0x0] =	wrdreg $0x0  }
0xaa: {  	s6 =	sshll.u32 s28, $0x1;
	[dreg:$0x2] =	wrdreg s5  }
0xab: {  	[dreg:$0x3] =	wrdreg s6  }
0xac: {  	[dreg:$0x4] =	wrdreg $0xC0  }
0xad: {  	_ =	task [dreg:s9], $0x5FFFF  }
0xae: {  	[dreg:$0x1] =	wrdreg $0xFFFFFFFF  }
0xaf: {  	[dreg:$0x0] =	wrdreg $0x60  }
0xb0: {  	[dreg:$0x2] =	wrdreg s2  }
0xb1: {  	[dreg:$0x3] =	wrdreg s19  }
0xb2: {  	[dreg:$0x4] =	wrdreg s4  }
0xb3: {  	[dreg:$0x5] =	wrdreg $0x9  }
0xb4: {  	_ =	task.clear_ibuf [dreg:s9], $0x6FFFF;
	_ =	strace $0x90000046  }
0xb5: {  	s29 =	simm.s32 $0x9;
	_ =	strace $0x80000048  }
0xb6: {  	_ =	swait.ge [sflag:s29], $0x1  }
0xb7: {  	[sflag:s29] =	ssyncadd.s32 $0xFFFFFFFF  }
0xb8: {  	_ =	strace $0x90000048  }
0xb9: {  	_ =	sfence  }
0xba: {  	s30 =	sld [smem:$0x0];
	_ =	sdelay $0x2  }
0xbb: {  	s31 =	sshll.u32 s1, $0xD;
	s1 =	sshrl.u32 s1, $0x2  }
0xbc: {  	s3 =	sand.u32 $0x4000, s31;
	s1 =	sadd.s32 s1, s30  }
0xbd: {  	s0 =	sor.u32 s3, s0;
	s1 =	sshll.u32 s1, $0x11  }
0xbe: {  	s0 =	sor.u32 s1, s0  }
0xbf: {  	s0 =	sadd.s32 $0x8F2B, s0  }
0xc0: {  	[sflag:s0] =	ssyncadd.remote.s32 $0x1  }
0xc1: {  	_ =	sfence.sel $0xFFFF  }
0xc2: {  	[dreg:$0x0] =	wrdreg $0xFFFFFFFF;
	(pc) =	sbr.abs _section_cstart, $3  }
0xc3: {  	[dreg:$0x1] =	wrdreg $0xFFFFFFFF  }
0xc4: {  	_ =	task.clear_ibuf [dreg:s9], $0x2FFFF;
	_ =	strace $0x9FFFFFFF  }
0xc5: {  	(tm) =	ssettm $0x7FFFFFFF  }
tec
execute0_lowered:
.L_overlay_start_1:
0x0: {  	(tag) =	ssettag $0x1  }
0x1: {  	s1 =	rddreg [dreg:$0x0]  }
0x2: {  	s6 =	rddreg [dreg:$0x1]  }
0x3: {  	s2 =	rddreg [dreg:$0x2]  }
0x4: {  	s0 =	rddreg [dreg:$0x3];
	s4 =	simm.s32 $0x0  }
0x5: {  	s5 =	srdreg.scid;
	s3 =	stileid.u32;
	s13 =	simm.s32 $0x1  }
0x6: {  	s14 =	simm.s32 $0x2;
	s15 =	simm.s32 $0x4;
	s16 =	simm.s32 $0x3  }
0x7: {  	s17 =	simm.s32 $0x0;
	[smem:$0x7FF] =	sst s4;
	s5 =	sand.u32 $0x1, s5  }
0x8: {  	s7 =	sshll.u32 s3, $0x9;
	s8 =	sshrl.u32 s3, $0x1;
	s9 =	sshll.u32 s5, $0x8  }
0x9: {  	s7 =	sand.u32 $0x200, s7;
	s10 =	smul.u32 $0xC3800, s8;
	_ =	strace $0x80000047  }
0xa: {  	s5 =	ssub.s32 $0x2, s5;
	s30 =	sshll.u32 s8, $0xF;
	s9 =	sor.u32 s9, s7  }
0xb: {  	s28 =	sshrl.u32 s5, $0x1;
	s11 =	sor.u32 s10, s9;
	s12 =	sor.u32 $0x80, s9  }
0xc: {  	s7 =	ssub.s32 s5, s28;
	s8 =	sor.u32 s9, s30;
	s29 =	sshrl.u32 s11, $0x3  }
0xd: {  	s10 =	sor.u32 s10, s12;
	s7 =	smax.u32 s7, $0x1;
	s9 =	sor.u32 s12, s30  }
0xe: {  	s11 =	simm.s32 $0x400;
	s12 =	simm.s32 $0x5;
	s31 =	sshrl.u32 s10, $0x3  }
0xf: {  	s5 =	sadd.s32 s6, s29;
	s10 =	simm.s32 $0x80;
	s6 =	sadd.s32 s6, s31  }
.LBB2_1:
0x10: {  	[tilespmem:s4], [sflag:$0x5] =	stream.strided.gather [hbm4b:s5+s10], $0x18700, s11, s10, $0x38;
	[tilespmem:$0x1C700] =	vst v63  }
0x11: {  	_ =	swait.ge [sflag:s12], $0x18700  }
0x12: {  	s19 =	simm.s32 $0x18700;
	[sflag:s12] =	ssyncset.done $0x0  }
0x13: {  	s18 =	sadd.s32 $0x0, s1;
	s20 =	simm.s32 $0x80;
	[sflag:s12] =	ssyncadd.s32 $0xFFFE7900  }
0x14: {  	[tilespmem:s19], [sflag:$0x1] =	stream.linear.gather [hbm4b:s18+s4], $0x80, $0x38;
	[tilespmem:$0x1C700] =	vst v63  }
.LBB2_2:
0x15: {  	p0 =	sne.s32 s20, $0xF80  }
.Ltmp0:
0x16: {  	_ = 	snop;
	(pc) =	sbr.rel @p0 .LBB2_2-.Ltmp0, $4  }
0x17: {  	_ = 	snop  }
0x18: {  	s21 =	sadd.s32 s20, s1;
	s19 =	sadd.s32 $0x100, s19  }
0x19: {  	s18 =	simm.s32 $0x0;
	s20 =	sadd.s32 $0x80, s20  }
0x1a: {  	[tilespmem:s19], [sflag:$0x1] =	stream.linear.gather [hbm4b:s21+s18], $0x80, $0x38;
	[tilespmem:$0x1C700] =	vst v63  }
.LBB2_3:
0x1b: {  	s19 =	sshllo.u32 s18, $0x1;
	s20 =	sshll.u32 s18, $0xA  }
0x1c: {  	s20 =	sand.u32 $0x7000, s20;
	s21 =	sshll.u32 s19, $0x4  }
0x1d: {  	s21 =	sand.u32 $0x70, s21;
	s22 =	sadd.s32 s1, s20  }
0x1e: {  	s23 =	simm.s32 $0x80;
	s24 =	simm.s32 $0x18880;
	s21 =	sadd.s32 s21, s22  }
0x1f: {  	s20 =	sshll.u32 s18, $0x1;
	s22 =	simm.s32 $0x18780;
	s25 =	sadd.s32 $0x0, s21  }
.LBB2_4:
0x20: {  	[tilespmem:s22], [sflag:$0x2] =	stream.linear.gather [hbm4b:s25+s4], $0x80, $0x38;
	[tilespmem:$0x1C700] =	vst v63  }
0x21: {  	s25 =	smov.u32 s23;
	s22 =	smov.u32 s24;
	p0 =	sne.s32 s23, $0xF80  }
.Ltmp1:
0x22: {  	s23 =	sadd.s32 $0x80, s23;
	(pc) =	sbr.rel @p0 .LBB2_4-.Ltmp1, $2  }
0x23: {  	_ =	sdelay $0x2  }
0x24: {  	s24 =	sadd.s32 $0x100, s24;
	s25 =	sadd.s32 s25, s21  }
0x25: {  	[tilespmem:s22], [sflag:$0x2] =	stream.linear.gather [hbm4b:s25+s4], $0x80, $0x38;
	[tilespmem:$0x1C700] =	vst v63  }
0x26: {  	_ =	swait.ge [sflag:s13], $0x1000  }
0x27: {  	p0 =	seq.s32 s18, $0x0;
	[sflag:s13] =	ssyncset.done $0x0  }
0x28: {  	s21 =	simm.s32 @!p0 $0x3;
	[sflag:s13] =	ssyncadd.s32 $0xFFFFF000  }
0x29: {  	_ =	swait.ge @!p0 [sflag:s21], $0x1000  }
0x2a: {  	[sflag:s21] =	ssyncset.done @!p0 $0x0  }
0x2b: {  	s31 =	simm.s32 $0x18740;
	[sflag:s21] =	ssyncadd.s32 @!p0 $0xFFFFF000  }
0x2c: {  	v0 =	vld [tilespmem:s31+$0x30]  }
0x2d: {  	v1 =	vld [tilespmem:s31+$0xFFFFFFD0]  }
0x2e: {  	v2 =	vld [tilespmem:s31+$0xFFFFFFE0]  }
0x2f: {  	v3 =	vld [tilespmem:s31+$0xFFFFFFF0]  }
0x30: {  	v6 =	vld [tilespmem:s31+$0x0]  }
0x31: {  	v7 =	vld [tilespmem:s31+$0x10]  }
0x32: {  	v8 =	vld [tilespmem:s31+$0x20]  }
0x33: {  	v9 =	vld [tilespmem:s31+$0xFFFFFFC0]  }
0x34: {  	v10 =	vld.idx.msk [tilespmem:v0+s4+$0x0], $0xffff  }
0x35: {  	v11 =	vld.idx.msk [tilespmem:v1+s4+$0x0], $0xffff  }
0x36: {  	v5 =	vld.idx.msk [tilespmem:v2+s4+$0x0], $0xffff  }
0x37: {  	v4 =	vld.idx.msk [tilespmem:v3+s4+$0x0], $0xffff  }
0x38: {  	v3 =	vld.idx.msk [tilespmem:v6+s4+$0x0], $0xffff  }
0x39: {  	s21 =	simm.s32 $0x1A740;
	v2 =	vld.idx.msk [tilespmem:v7+s4+$0x0], $0xffff  }
0x3a: {  	v0 =	vld.idx.msk [tilespmem:v8+s4+$0x0], $0xffff;
	[tilespmem:s21+$0x30] =	vst v10  }
0x3b: {  	s22 =	simm.s32 $0x0;
	s23 =	simm.s32 $0x18840;
	v1 =	vld.idx.msk [tilespmem:v9+s4+$0x0], $0xffff;
	[tilespmem:s21+$0xFFFFFFD0] =	vst v11  }
.LBB2_6:
0x3c: {  	v6 =	vld [tilespmem:s23+$0x30];
	s22 =	sadd.s32 $0x8, s22;
	[tilespmem:s21+$0xFFFFFFE0] =	vst v5  }
0x3d: {  	v5 =	vld [tilespmem:s23+$0xFFFFFFD0];
	p1 =	slt.u32 s22, $0xF8;
	[tilespmem:s21+$0xFFFFFFF0] =	vst v4  }
0x3e: {  	v4 =	vld [tilespmem:s23+$0xFFFFFFE0];
	[tilespmem:s21+$0x0] =	vst v3  }
0x3f: {  	v3 =	vld [tilespmem:s23+$0xFFFFFFF0];
	[tilespmem:s21+$0x10] =	vst v2  }
0x40: {  	v2 =	vld [tilespmem:s23+$0x0];
	[tilespmem:s21+$0x20] =	vst v0  }
0x41: {  	v0 =	vld [tilespmem:s23+$0x10];
	[tilespmem:s21+$0xFFFFFFC0] =	vst v1  }
0x42: {  	v1 =	vld [tilespmem:s23+$0x20]  }
0x43: {  	v7 =	vld [tilespmem:s23+$0xFFFFFFC0]  }
0x44: {  	v6 =	vld.idx.msk [tilespmem:v6+s4+$0x0], $0xffff  }
0x45: {  	v8 =	vld.idx.msk [tilespmem:v5+s4+$0x0], $0xffff  }
0x46: {  	v5 =	vld.idx.msk [tilespmem:v4+s4+$0x0], $0xffff  }
.Ltmp2:
0x47: {  	v4 =	vld.idx.msk [tilespmem:v3+s4+$0x0], $0xffff;
	(pc) =	sbr.rel @p1 .LBB2_6-.Ltmp2, $4  }
0x48: {  	v3 =	vld.idx.msk [tilespmem:v2+s4+$0x0], $0xffff  }
0x49: {  	s21 =	sadd.s32 $0x100, s21;
	v2 =	vld.idx.msk [tilespmem:v0+s4+$0x0], $0xffff  }
0x4a: {  	v0 =	vld.idx.msk [tilespmem:v1+s4+$0x0], $0xffff;
	[tilespmem:s21+$0x30] =	vst v6  }
0x4b: {  	s23 =	sadd.s32 $0x100, s23;
	v1 =	vld.idx.msk [tilespmem:v7+s4+$0x0], $0xffff;
	[tilespmem:s21+$0xFFFFFFD0] =	vst v8  }
0x4c: {  	[tilespmem:s21+$0xFFFFFFE0] =	vst v5  }
0x4d: {  	[tilespmem:s21+$0xFFFFFFF0] =	vst v4;
	s22 =	sshll.u32 s18, $0x13  }
0x4e: {  	[tilespmem:s21+$0x0] =	vst v3;
	s22 =	sor.u32 s8, s22  }
0x4f: {  	[tilespmem:s21+$0x10] =	vst v2;
	s22 =	sshrl.u32 s22, $0x3  }
0x50: {  	s23 =	simm.s32 $0x1A700;
	[tilespmem:s21+$0x20] =	vst v0;
	s22 =	sadd.s32 s2, s22  }
0x51: {  	s24 =	simm.s32 $0x1A800;
	[tilespmem:s21+$0xFFFFFFC0] =	vst v1;
	s21 =	simm.s32 $0x80;
	s25 =	sadd.s32 $0x0, s22  }
.LBB2_8:
0x52: {  	[hbm4b:s25+s4] =	stream.linear.scatter [tilespmem:s23], [sflag:$0x3], $0x80, $0x38;
	[tilespmem:$0x1C700] =	vst v63  }
0x53: {  	s25 =	smov.u32 s21;
	s23 =	smov.u32 s24;
	p1 =	sne.s32 s21, $0xF80  }
.Ltmp3:
0x54: {  	s21 =	sadd.s32 $0x80, s21;
	(pc) =	sbr.rel @p1 .LBB2_8-.Ltmp3, $2  }
0x55: {  	_ =	sdelay $0x2  }
0x56: {  	s24 =	sadd.s32 $0x100, s24;
	s25 =	sadd.s32 s25, s22  }
0x57: {  	p1 =	sne.s32 s18, $0x18  }
.Ltmp4:
0x58: {  	_ = 	snop;
	(pc) =	sbr.rel @p1 .LBB2_11-.Ltmp4, $2  }
0x59: {  	_ =	sdelay $0x2  }
0x5a: {  	[hbm4b:s25+s4] =	stream.linear.scatter [tilespmem:s23], [sflag:$0x3], $0x80, $0x38;
	[tilespmem:$0x1C700] =	vst v63  }
.Ltmp5:
0x5b: {  	(pc) =	sbr.rel .LBB2_14-.Ltmp5, $4  }
0x5c: {  	_ = 	snop  }
0x5d: {  	_ =	swait.ge [sflag:s14], $0x1000  }
0x5e: {  	[sflag:s14] =	ssyncset.done $0x0  }
0x5f: {  	[sflag:s14] =	ssyncadd.s32 $0xFFFFF000  }
.LBB2_11:
0x60: {  	s20 =	sadd.s32 $0x2, s20  }
0x61: {  	s21 =	sshll.u32 s20, $0x4  }
0x62: {  	s20 =	sshll.u32 s20, $0x9;
	s21 =	sand.u32 $0x60, s21  }
0x63: {  	s20 =	sand.u32 $0xF000, s20;
	s21 =	sadd.s32 s1, s21  }
0x64: {  	s22 =	simm.s32 $0x80;
	s20 =	sadd.s32 s20, s21  }
0x65: {  	s23 =	simm.s32 $0x18800;
	s21 =	simm.s32 $0x18700;
	s24 =	sadd.s32 $0x0, s20  }
.LBB2_12:
0x66: {  	[tilespmem:s21], [sflag:$0x1] =	stream.linear.gather [hbm4b:s24+s4], $0x80, $0x38;
	[tilespmem:$0x1C700] =	vst v63  }
0x67: {  	s24 =	smov.u32 s22;
	s21 =	smov.u32 s23;
	p1 =	sne.s32 s22, $0xF80  }
.Ltmp6:
0x68: {  	s22 =	sadd.s32 $0x80, s22;
	(pc) =	sbr.rel @p1 .LBB2_12-.Ltmp6, $2  }
0x69: {  	_ =	sdelay $0x2  }
0x6a: {  	s23 =	sadd.s32 $0x100, s23;
	s24 =	sadd.s32 s24, s20  }
.Ltmp7:
0x6b: {  	(pc) =	sbr.rel @p0 .LBB2_15-.Ltmp7, $4  }
0x6c: {  	[tilespmem:s21], [sflag:$0x1] =	stream.linear.gather [hbm4b:s24+s4], $0x80, $0x38;
	[tilespmem:$0x1C700] =	vst v63  }
0x6d: {  	_ =	swait.ge [sflag:s14], $0x1000  }
0x6e: {  	[sflag:s14] =	ssyncset.done $0x0  }
0x6f: {  	[sflag:s14] =	ssyncadd.s32 $0xFFFFF000  }
.LBB2_14:
0x70: {  	_ =	swait.ge [sflag:s15], $0x1000  }
0x71: {  	[sflag:s15] =	ssyncset.done $0x0  }
0x72: {  	[sflag:s15] =	ssyncadd.s32 $0xFFFFF000  }
.LBB2_15:
0x73: {  	s20 =	simm.s32 $0x187F0  }
0x74: {  	v0 =	vld [tilespmem:s20+$0x0]  }
0x75: {  	v1 =	vld [tilespmem:s20+$0xFFFFFFA0]  }
0x76: {  	v2 =	vld [tilespmem:s20+$0xFFFFFFB0]  }
0x77: {  	v3 =	vld [tilespmem:s20+$0xFFFFFFC0]  }
0x78: {  	v6 =	vld [tilespmem:s20+$0xFFFFFFD0]  }
0x79: {  	v7 =	vld [tilespmem:s20+$0xFFFFFFE0]  }
0x7a: {  	v8 =	vld [tilespmem:s20+$0xFFFFFFF0]  }
0x7b: {  	v9 =	vld [tilespmem:s20+$0xFFFFFF90]  }
0x7c: {  	v10 =	vld.idx.msk [tilespmem:v0+s4+$0x0], $0xffff  }
0x7d: {  	v11 =	vld.idx.msk [tilespmem:v1+s4+$0x0], $0xffff  }
0x7e: {  	v5 =	vld.idx.msk [tilespmem:v2+s4+$0x0], $0xffff  }
0x7f: {  	v4 =	vld.idx.msk [tilespmem:v3+s4+$0x0], $0xffff  }
0x80: {  	v3 =	vld.idx.msk [tilespmem:v6+s4+$0x0], $0xffff  }
0x81: {  	s20 =	simm.s32 $0x1A7F0;
	v2 =	vld.idx.msk [tilespmem:v7+s4+$0x0], $0xffff  }
0x82: {  	v0 =	vld.idx.msk [tilespmem:v8+s4+$0x0], $0xffff;
	[tilespmem:s20+$0x0] =	vst v10  }
0x83: {  	s21 =	simm.s32 $0x0;
	s22 =	simm.s32 $0x188F0;
	v1 =	vld.idx.msk [tilespmem:v9+s4+$0x0], $0xffff;
	[tilespmem:s20+$0xFFFFFFA0] =	vst v11  }
.LBB2_16:
0x84: {  	v6 =	vld [tilespmem:s22+$0x0];
	s21 =	sadd.s32 $0x8, s21;
	[tilespmem:s20+$0xFFFFFFB0] =	vst v5  }
0x85: {  	v5 =	vld [tilespmem:s22+$0xFFFFFFA0];
	p0 =	slt.u32 s21, $0xF8;
	[tilespmem:s20+$0xFFFFFFC0] =	vst v4  }
0x86: {  	v4 =	vld [tilespmem:s22+$0xFFFFFFB0];
	[tilespmem:s20+$0xFFFFFFD0] =	vst v3  }
0x87: {  	v3 =	vld [tilespmem:s22+$0xFFFFFFC0];
	[tilespmem:s20+$0xFFFFFFE0] =	vst v2  }
0x88: {  	v2 =	vld [tilespmem:s22+$0xFFFFFFD0];
	[tilespmem:s20+$0xFFFFFFF0] =	vst v0  }
0x89: {  	v0 =	vld [tilespmem:s22+$0xFFFFFFE0];
	[tilespmem:s20+$0xFFFFFF90] =	vst v1  }
0x8a: {  	v1 =	vld [tilespmem:s22+$0xFFFFFFF0]  }
0x8b: {  	v7 =	vld [tilespmem:s22+$0xFFFFFF90]  }
0x8c: {  	v6 =	vld.idx.msk [tilespmem:v6+s4+$0x0], $0xffff  }
0x8d: {  	v8 =	vld.idx.msk [tilespmem:v5+s4+$0x0], $0xffff  }
0x8e: {  	v5 =	vld.idx.msk [tilespmem:v4+s4+$0x0], $0xffff  }
.Ltmp8:
0x8f: {  	v4 =	vld.idx.msk [tilespmem:v3+s4+$0x0], $0xffff;
	(pc) =	sbr.rel @p0 .LBB2_16-.Ltmp8, $4  }
0x90: {  	v3 =	vld.idx.msk [tilespmem:v2+s4+$0x0], $0xffff  }
0x91: {  	s20 =	sadd.s32 $0x100, s20;
	v2 =	vld.idx.msk [tilespmem:v0+s4+$0x0], $0xffff  }
0x92: {  	v0 =	vld.idx.msk [tilespmem:v1+s4+$0x0], $0xffff;
	[tilespmem:s20+$0x0] =	vst v6  }
0x93: {  	s22 =	sadd.s32 $0x100, s22;
	v1 =	vld.idx.msk [tilespmem:v7+s4+$0x0], $0xffff;
	[tilespmem:s20+$0xFFFFFFA0] =	vst v8  }
0x94: {  	[tilespmem:s20+$0xFFFFFFB0] =	vst v5  }
0x95: {  	[tilespmem:s20+$0xFFFFFFC0] =	vst v4;
	s19 =	sshll.u32 s19, $0x12  }
0x96: {  	[tilespmem:s20+$0xFFFFFFD0] =	vst v3;
	s19 =	sor.u32 s8, s19  }
0x97: {  	[tilespmem:s20+$0xFFFFFFE0] =	vst v2;
	s19 =	sshrl.u32 s19, $0x3  }
0x98: {  	s21 =	simm.s32 $0x1A780;
	[tilespmem:s20+$0xFFFFFFF0] =	vst v0;
	s19 =	sadd.s32 s2, s19  }
0x99: {  	s22 =	simm.s32 $0x1A880;
	[tilespmem:s20+$0xFFFFFF90] =	vst v1;
	s20 =	simm.s32 $0x80;
	s23 =	sadd.s32 $0x0, s19  }
.LBB2_18:
0x9a: {  	[hbm4b:s23+s4] =	stream.linear.scatter [tilespmem:s21], [sflag:$0x4], $0x80, $0x38;
	[tilespmem:$0x1C700] =	vst v63  }
0x9b: {  	s23 =	smov.u32 s20;
	s21 =	smov.u32 s22;
	p0 =	sne.s32 s20, $0xF80  }
.Ltmp9:
0x9c: {  	s20 =	sadd.s32 $0x80, s20;
	(pc) =	sbr.rel @p0 .LBB2_18-.Ltmp9, $2  }
0x9d: {  	_ =	sdelay $0x2  }
0x9e: {  	s22 =	sadd.s32 $0x100, s22;
	s23 =	sadd.s32 s23, s19  }
0x9f: {  	s18 =	sadd.s32 $0x1, s18  }
0xa0: {  	p0 =	sne.s32 s18, $0x19  }
.Ltmp10:
0xa1: {  	_ = 	snop;
	(pc) =	sbr.rel @p0 .LBB2_3-.Ltmp10, $2  }
0xa2: {  	_ =	sdelay $0x2  }
0xa3: {  	[hbm4b:s23+s4] =	stream.linear.scatter [tilespmem:s21], [sflag:$0x4], $0x80, $0x38;
	[tilespmem:$0x1C700] =	vst v63  }
0xa4: {  	s18 =	simm.s32 $0x0  }
0xa5: {  	[tilespmem:s18], [sflag:$0x5] =	stream.strided.gather [hbm4b:s6+s10], $0x18700, s11, s10, $0x38;
	[tilespmem:$0x1C700] =	vst v63  }
0xa6: {  	_ =	swait.ge [sflag:s12], $0x18700  }
0xa7: {  	s19 =	simm.s32 $0x18700;
	s20 =	simm.s32 $0x80;
	[sflag:s12] =	ssyncset.done $0x0  }
0xa8: {  	s22 =	sadd.s32 $0x0, s1;
	s21 =	simm.s32 $0x18800;
	[sflag:s12] =	ssyncadd.s32 $0xFFFE7900  }
.LBB2_21:
0xa9: {  	[tilespmem:s19], [sflag:$0x1] =	stream.linear.gather [hbm4b:s22+s18], $0x80, $0x38;
	[tilespmem:$0x1C700] =	vst v63  }
0xaa: {  	s22 =	smov.u32 s20;
	s19 =	smov.u32 s21;
	p0 =	sne.s32 s20, $0xF80  }
.Ltmp11:
0xab: {  	s20 =	sadd.s32 $0x80, s20;
	(pc) =	sbr.rel @p0 .LBB2_21-.Ltmp11, $2  }
0xac: {  	_ =	sdelay $0x2  }
0xad: {  	s21 =	sadd.s32 $0x100, s21;
	s22 =	sadd.s32 s22, s1  }
0xae: {  	[tilespmem:s19], [sflag:$0x1] =	stream.linear.gather [hbm4b:s22+s18], $0x80, $0x38;
	[tilespmem:$0x1C700] =	vst v63  }
.LBB2_23:
0xaf: {  	s19 =	sshllo.u32 s18, $0x1;
	s20 =	sshll.u32 s18, $0xA  }
0xb0: {  	s20 =	sand.u32 $0x7000, s20;
	s21 =	sshll.u32 s19, $0x4  }
0xb1: {  	s21 =	sand.u32 $0x70, s21;
	s22 =	sadd.s32 s1, s20  }
0xb2: {  	s23 =	simm.s32 $0x80;
	s24 =	simm.s32 $0x18880;
	s21 =	sadd.s32 s21, s22  }
0xb3: {  	s20 =	sshll.u32 s18, $0x1;
	s22 =	simm.s32 $0x18780;
	s25 =	sadd.s32 $0x0, s21  }
.LBB2_24:
0xb4: {  	[tilespmem:s22], [sflag:$0x2] =	stream.linear.gather [hbm4b:s25+s4], $0x80, $0x38;
	[tilespmem:$0x1C700] =	vst v63  }
0xb5: {  	s25 =	smov.u32 s23;
	s22 =	smov.u32 s24;
	p0 =	sne.s32 s23, $0xF80  }
.Ltmp12:
0xb6: {  	s23 =	sadd.s32 $0x80, s23;
	(pc) =	sbr.rel @p0 .LBB2_24-.Ltmp12, $2  }
0xb7: {  	_ =	sdelay $0x2  }
0xb8: {  	s24 =	sadd.s32 $0x100, s24;
	s25 =	sadd.s32 s25, s21  }
0xb9: {  	[tilespmem:s22], [sflag:$0x2] =	stream.linear.gather [hbm4b:s25+s4], $0x80, $0x38;
	[tilespmem:$0x1C700] =	vst v63  }
0xba: {  	_ =	swait.ge [sflag:s13], $0x1000  }
0xbb: {  	[sflag:s13] =	ssyncset.done $0x0  }
0xbc: {  	[sflag:s13] =	ssyncadd.s32 $0xFFFFF000  }
0xbd: {  	_ =	swait.ge [sflag:s16], $0x1000  }
0xbe: {  	[sflag:s16] =	ssyncset.done $0x0  }
0xbf: {  	s21 =	simm.s32 $0x18740;
	[sflag:s16] =	ssyncadd.s32 $0xFFFFF000  }
0xc0: {  	v0 =	vld [tilespmem:s21+$0x30]  }
0xc1: {  	v1 =	vld [tilespmem:s21+$0xFFFFFFD0]  }
0xc2: {  	v2 =	vld [tilespmem:s21+$0xFFFFFFE0]  }
0xc3: {  	v3 =	vld [tilespmem:s21+$0xFFFFFFF0]  }
0xc4: {  	v6 =	vld [tilespmem:s21+$0x0]  }
0xc5: {  	v7 =	vld [tilespmem:s21+$0x10]  }
0xc6: {  	v8 =	vld [tilespmem:s21+$0x20]  }
0xc7: {  	v9 =	vld [tilespmem:s21+$0xFFFFFFC0]  }
0xc8: {  	v10 =	vld.idx.msk [tilespmem:v0+s4+$0x0], $0xffff  }
0xc9: {  	v11 =	vld.idx.msk [tilespmem:v1+s4+$0x0], $0xffff  }
0xca: {  	v5 =	vld.idx.msk [tilespmem:v2+s4+$0x0], $0xffff  }
0xcb: {  	v4 =	vld.idx.msk [tilespmem:v3+s4+$0x0], $0xffff  }
0xcc: {  	v3 =	vld.idx.msk [tilespmem:v6+s4+$0x0], $0xffff  }
0xcd: {  	s21 =	simm.s32 $0x1A740;
	v2 =	vld.idx.msk [tilespmem:v7+s4+$0x0], $0xffff  }
0xce: {  	v0 =	vld.idx.msk [tilespmem:v8+s4+$0x0], $0xffff;
	[tilespmem:s21+$0x30] =	vst v10  }
0xcf: {  	s22 =	simm.s32 $0x0;
	s23 =	simm.s32 $0x18840;
	v1 =	vld.idx.msk [tilespmem:v9+s4+$0x0], $0xffff;
	[tilespmem:s21+$0xFFFFFFD0] =	vst v11  }
.LBB2_26:
0xd0: {  	v6 =	vld [tilespmem:s23+$0x30];
	s22 =	sadd.s32 $0x8, s22;
	[tilespmem:s21+$0xFFFFFFE0] =	vst v5  }
0xd1: {  	v5 =	vld [tilespmem:s23+$0xFFFFFFD0];
	p0 =	slt.u32 s22, $0xF8;
	[tilespmem:s21+$0xFFFFFFF0] =	vst v4  }
0xd2: {  	v4 =	vld [tilespmem:s23+$0xFFFFFFE0];
	[tilespmem:s21+$0x0] =	vst v3  }
0xd3: {  	v3 =	vld [tilespmem:s23+$0xFFFFFFF0];
	[tilespmem:s21+$0x10] =	vst v2  }
0xd4: {  	v2 =	vld [tilespmem:s23+$0x0];
	[tilespmem:s21+$0x20] =	vst v0  }
0xd5: {  	v0 =	vld [tilespmem:s23+$0x10];
	[tilespmem:s21+$0xFFFFFFC0] =	vst v1  }
0xd6: {  	v1 =	vld [tilespmem:s23+$0x20]  }
0xd7: {  	v7 =	vld [tilespmem:s23+$0xFFFFFFC0]  }
0xd8: {  	v6 =	vld.idx.msk [tilespmem:v6+s4+$0x0], $0xffff  }
0xd9: {  	v8 =	vld.idx.msk [tilespmem:v5+s4+$0x0], $0xffff  }
0xda: {  	v5 =	vld.idx.msk [tilespmem:v4+s4+$0x0], $0xffff  }
.Ltmp13:
0xdb: {  	v4 =	vld.idx.msk [tilespmem:v3+s4+$0x0], $0xffff;
	(pc) =	sbr.rel @p0 .LBB2_26-.Ltmp13, $4  }
0xdc: {  	v3 =	vld.idx.msk [tilespmem:v2+s4+$0x0], $0xffff  }
0xdd: {  	s21 =	sadd.s32 $0x100, s21;
	v2 =	vld.idx.msk [tilespmem:v0+s4+$0x0], $0xffff  }
0xde: {  	v0 =	vld.idx.msk [tilespmem:v1+s4+$0x0], $0xffff;
	[tilespmem:s21+$0x30] =	vst v6  }
0xdf: {  	s23 =	sadd.s32 $0x100, s23;
	v1 =	vld.idx.msk [tilespmem:v7+s4+$0x0], $0xffff;
	[tilespmem:s21+$0xFFFFFFD0] =	vst v8  }
0xe0: {  	[tilespmem:s21+$0xFFFFFFE0] =	vst v5  }
0xe1: {  	[tilespmem:s21+$0xFFFFFFF0] =	vst v4;
	s22 =	sshll.u32 s18, $0x13  }
0xe2: {  	[tilespmem:s21+$0x0] =	vst v3;
	s22 =	sor.u32 s9, s22  }
0xe3: {  	[tilespmem:s21+$0x10] =	vst v2;
	s22 =	sshrl.u32 s22, $0x3  }
0xe4: {  	s23 =	simm.s32 $0x1A700;
	[tilespmem:s21+$0x20] =	vst v0;
	s22 =	sadd.s32 s2, s22  }
0xe5: {  	s24 =	simm.s32 $0x1A800;
	[tilespmem:s21+$0xFFFFFFC0] =	vst v1;
	s21 =	simm.s32 $0x80;
	s25 =	sadd.s32 $0x0, s22  }
.LBB2_28:
0xe6: {  	[hbm4b:s25+s4] =	stream.linear.scatter [tilespmem:s23], [sflag:$0x3], $0x80, $0x38;
	[tilespmem:$0x1C700] =	vst v63  }
0xe7: {  	s25 =	smov.u32 s21;
	s23 =	smov.u32 s24;
	p0 =	sne.s32 s21, $0xF80  }
.Ltmp14:
0xe8: {  	s21 =	sadd.s32 $0x80, s21;
	(pc) =	sbr.rel @p0 .LBB2_28-.Ltmp14, $2  }
0xe9: {  	_ =	sdelay $0x2  }
0xea: {  	s24 =	sadd.s32 $0x100, s24;
	s25 =	sadd.s32 s25, s22  }
0xeb: {  	p0 =	seq.s32 s18, $0x18  }
.Ltmp15:
0xec: {  	_ = 	snop;
	(pc) =	sbr.rel @p0 .LBB2_33-.Ltmp15, $2  }
0xed: {  	_ =	sdelay $0x2  }
0xee: {  	[hbm4b:s25+s4] =	stream.linear.scatter [tilespmem:s23], [sflag:$0x3], $0x80, $0x38;
	[tilespmem:$0x1C700] =	vst v63  }
0xef: {  	s20 =	sadd.s32 $0x2, s20  }
0xf0: {  	s21 =	sshll.u32 s20, $0x4  }
0xf1: {  	s20 =	sshll.u32 s20, $0x9;
	s21 =	sand.u32 $0x60, s21  }
0xf2: {  	s20 =	sand.u32 $0xF000, s20;
	s21 =	sadd.s32 s1, s21  }
0xf3: {  	s22 =	simm.s32 $0x80;
	s20 =	sadd.s32 s20, s21  }
0xf4: {  	s23 =	simm.s32 $0x18800;
	s21 =	simm.s32 $0x18700;
	s24 =	sadd.s32 $0x0, s20  }
.LBB2_31:
0xf5: {  	[tilespmem:s21], [sflag:$0x1] =	stream.linear.gather [hbm4b:s24+s4], $0x80, $0x38;
	[tilespmem:$0x1C700] =	vst v63  }
0xf6: {  	s24 =	smov.u32 s22;
	s21 =	smov.u32 s23;
	p0 =	sne.s32 s22, $0xF80  }
.Ltmp16:
0xf7: {  	s22 =	sadd.s32 $0x80, s22;
	(pc) =	sbr.rel @p0 .LBB2_31-.Ltmp16, $2  }
0xf8: {  	_ =	sdelay $0x2  }
0xf9: {  	s23 =	sadd.s32 $0x100, s23;
	s24 =	sadd.s32 s24, s20  }
0xfa: {  	[tilespmem:s21], [sflag:$0x1] =	stream.linear.gather [hbm4b:s24+s4], $0x80, $0x38;
	[tilespmem:$0x1C700] =	vst v63  }
.LBB2_33:
0xfb: {  	_ =	swait.ge [sflag:s14], $0x1000  }
0xfc: {  	[sflag:s14] =	ssyncset.done $0x0  }
0xfd: {  	[sflag:s14] =	ssyncadd.s32 $0xFFFFF000  }
0xfe: {  	_ =	swait.ge [sflag:s15], $0x1000  }
0xff: {  	[sflag:s15] =	ssyncset.done $0x0  }
0x100: {  	s20 =	simm.s32 $0x187F0;
	[sflag:s15] =	ssyncadd.s32 $0xFFFFF000  }
0x101: {  	v0 =	vld [tilespmem:s20+$0x0]  }
0x102: {  	v1 =	vld [tilespmem:s20+$0xFFFFFFA0]  }
0x103: {  	v2 =	vld [tilespmem:s20+$0xFFFFFFB0]  }
0x104: {  	v3 =	vld [tilespmem:s20+$0xFFFFFFC0]  }
0x105: {  	v6 =	vld [tilespmem:s20+$0xFFFFFFD0]  }
0x106: {  	v7 =	vld [tilespmem:s20+$0xFFFFFFE0]  }
0x107: {  	v8 =	vld [tilespmem:s20+$0xFFFFFFF0]  }
0x108: {  	v9 =	vld [tilespmem:s20+$0xFFFFFF90]  }
0x109: {  	v10 =	vld.idx.msk [tilespmem:v0+s4+$0x0], $0xffff  }
0x10a: {  	v11 =	vld.idx.msk [tilespmem:v1+s4+$0x0], $0xffff  }
0x10b: {  	v5 =	vld.idx.msk [tilespmem:v2+s4+$0x0], $0xffff  }
0x10c: {  	v4 =	vld.idx.msk [tilespmem:v3+s4+$0x0], $0xffff  }
0x10d: {  	v3 =	vld.idx.msk [tilespmem:v6+s4+$0x0], $0xffff  }
0x10e: {  	s20 =	simm.s32 $0x1A7F0;
	v2 =	vld.idx.msk [tilespmem:v7+s4+$0x0], $0xffff  }
0x10f: {  	v0 =	vld.idx.msk [tilespmem:v8+s4+$0x0], $0xffff;
	[tilespmem:s20+$0x0] =	vst v10  }
0x110: {  	s21 =	simm.s32 $0x0;
	s22 =	simm.s32 $0x188F0;
	v1 =	vld.idx.msk [tilespmem:v9+s4+$0x0], $0xffff;
	[tilespmem:s20+$0xFFFFFFA0] =	vst v11  }
.LBB2_34:
0x111: {  	v6 =	vld [tilespmem:s22+$0x0];
	s21 =	sadd.s32 $0x8, s21;
	[tilespmem:s20+$0xFFFFFFB0] =	vst v5  }
0x112: {  	v5 =	vld [tilespmem:s22+$0xFFFFFFA0];
	p0 =	slt.u32 s21, $0xF8;
	[tilespmem:s20+$0xFFFFFFC0] =	vst v4  }
0x113: {  	v4 =	vld [tilespmem:s22+$0xFFFFFFB0];
	[tilespmem:s20+$0xFFFFFFD0] =	vst v3  }
0x114: {  	v3 =	vld [tilespmem:s22+$0xFFFFFFC0];
	[tilespmem:s20+$0xFFFFFFE0] =	vst v2  }
0x115: {  	v2 =	vld [tilespmem:s22+$0xFFFFFFD0];
	[tilespmem:s20+$0xFFFFFFF0] =	vst v0  }
0x116: {  	v0 =	vld [tilespmem:s22+$0xFFFFFFE0];
	[tilespmem:s20+$0xFFFFFF90] =	vst v1  }
0x117: {  	v1 =	vld [tilespmem:s22+$0xFFFFFFF0]  }
0x118: {  	v7 =	vld [tilespmem:s22+$0xFFFFFF90]  }
0x119: {  	v6 =	vld.idx.msk [tilespmem:v6+s4+$0x0], $0xffff  }
0x11a: {  	v8 =	vld.idx.msk [tilespmem:v5+s4+$0x0], $0xffff  }
0x11b: {  	v5 =	vld.idx.msk [tilespmem:v4+s4+$0x0], $0xffff  }
.Ltmp17:
0x11c: {  	v4 =	vld.idx.msk [tilespmem:v3+s4+$0x0], $0xffff;
	(pc) =	sbr.rel @p0 .LBB2_34-.Ltmp17, $4  }
0x11d: {  	v3 =	vld.idx.msk [tilespmem:v2+s4+$0x0], $0xffff  }
0x11e: {  	s20 =	sadd.s32 $0x100, s20;
	v2 =	vld.idx.msk [tilespmem:v0+s4+$0x0], $0xffff  }
0x11f: {  	v0 =	vld.idx.msk [tilespmem:v1+s4+$0x0], $0xffff;
	[tilespmem:s20+$0x0] =	vst v6  }
0x120: {  	s22 =	sadd.s32 $0x100, s22;
	v1 =	vld.idx.msk [tilespmem:v7+s4+$0x0], $0xffff;
	[tilespmem:s20+$0xFFFFFFA0] =	vst v8  }
0x121: {  	[tilespmem:s20+$0xFFFFFFB0] =	vst v5  }
0x122: {  	[tilespmem:s20+$0xFFFFFFC0] =	vst v4;
	s19 =	sshll.u32 s19, $0x12  }
0x123: {  	[tilespmem:s20+$0xFFFFFFD0] =	vst v3;
	s19 =	sor.u32 s9, s19  }
0x124: {  	[tilespmem:s20+$0xFFFFFFE0] =	vst v2;
	s19 =	sshrl.u32 s19, $0x3  }
0x125: {  	s21 =	simm.s32 $0x1A780;
	[tilespmem:s20+$0xFFFFFFF0] =	vst v0;
	s19 =	sadd.s32 s2, s19  }
0x126: {  	s22 =	simm.s32 $0x1A880;
	[tilespmem:s20+$0xFFFFFF90] =	vst v1;
	s20 =	simm.s32 $0x80;
	s23 =	sadd.s32 $0x0, s19  }
.LBB2_36:
0x127: {  	[hbm4b:s23+s4] =	stream.linear.scatter [tilespmem:s21], [sflag:$0x4], $0x80, $0x38;
	[tilespmem:$0x1C700] =	vst v63  }
0x128: {  	s23 =	smov.u32 s20;
	s21 =	smov.u32 s22;
	p0 =	sne.s32 s20, $0xF80  }
.Ltmp18:
0x129: {  	s20 =	sadd.s32 $0x80, s20;
	(pc) =	sbr.rel @p0 .LBB2_36-.Ltmp18, $2  }
0x12a: {  	_ =	sdelay $0x2  }
0x12b: {  	s22 =	sadd.s32 $0x100, s22;
	s23 =	sadd.s32 s23, s19  }
0x12c: {  	s18 =	sadd.s32 $0x1, s18  }
0x12d: {  	p0 =	sne.s32 s18, $0x19  }
.Ltmp19:
0x12e: {  	_ = 	snop;
	(pc) =	sbr.rel @p0 .LBB2_23-.Ltmp19, $2  }
0x12f: {  	_ =	sdelay $0x2  }
0x130: {  	[hbm4b:s23+s4] =	stream.linear.scatter [tilespmem:s21], [sflag:$0x4], $0x80, $0x38;
	[tilespmem:$0x1C700] =	vst v63  }
0x131: {  	s17 =	sadd.s32 $0x1, s17  }
0x132: {  	_ =	swait.ge [sflag:s16], $0x1000;
	p0 =	sne.s32 s17, s7  }
.Ltmp20:
0x133: {  	[sflag:s16] =	ssyncset.done $0x0;
	(pc) =	sbr.rel @p0 .LBB2_1-.Ltmp20, $4  }
0x134: {  	[sflag:s16] =	ssyncadd.s32 $0xFFFFF000  }
0x135: {  	_ =	swait.ge [sflag:s15], $0x1000  }
0x136: {  	[sflag:s15] =	ssyncset.done $0x0  }
0x137: {  	[sflag:s15] =	ssyncadd.s32 $0xFFFFF000  }
0x138: {  	_ =	sfence.sel $0x180000  }
0x139: {  	[bflag:$0x0] =	sbarrier.arrive $0xFFFF  }
0x13a: {  	p0 =	sne.s32 s3, $0x0;
	_ =	strace $0x90000047  }
0x13b: {  	s0 =	sadd.s32 @!p0 $0x100000, s0;
	[bflag:$0x2] =	sbarrier.arrive $0xFFFF  }
0x13c: {  	[sflag:s0] =	ssyncadd.tile.s32 @!p0 $0x1;
	_ =	shalt  }
.Lfunc_end2:
_tile_overlayer_lowered:
.L_overlay_start_2:
0x13d: {  	(tag) =	ssettag $0x2  }
0x13e: {  	s0 =	rddreg [dreg:$0x0];
	s2 =	stileid.u32  }
0x13f: {  	s1 =	rddreg [dreg:$0x1];
	p0 =	sne.s32 s2, $0x0  }
0x140: {  	s3 =	rddreg [dreg:$0x2];
	[bflag:$0x3] =	sbarrier.arrive $0xFFFF;
	s2 =	simm.s32 @!p0 $0x1C05  }
0x141: {  	[timem:s3], [sflag:s2] =	dma.local @!p0 [hbm:s0], s1  }
0x142: {  	s0 =	simm.s32 @!p0 $0x5  }
0x143: {  	_ =	swait.ge @!p0 [sflag:s0], s1  }
0x144: {  	s1 =	ssub.s32 @!p0 $0x0, s1;
	[sflag:s0] =	ssyncset.done @!p0 $0x0  }
0x145: {  	[sflag:s0] =	ssyncadd.s32 @!p0 s1  }
0x146: {  	[bflag:$0x3] =	sbarrier.arrive $0xFFFF  }
0x147: {  	_ =	shalt  }

</sc_bundles>
